<compile_context>
chip_gen: v7x
topology: tpu7x:2x2x1
jax: 0.10.2.dev20260603
libtpu: 0.0.44.dev20260713+nightly
codegen_flags: <defaults>
</compile_context>

<pallas_src>
import functools
import jax
import jax.numpy as jnp
from jax import lax
from jax.experimental import pallas as pl
from jax.experimental.pallas import tpu as pltpu
from jax.experimental.pallas import tpu_sc as plsc

K = 16
N_POINTS = 2048
N_DIMS = 256
ROW_BLOCK = 256
N_SAMPLES = 16
ROWS_TOTAL = N_SAMPLES * N_POINTS
NW = 32
ROWS_PER_W = ROWS_TOTAL // NW
OUT_GROUP = 128
CAP = 512


def _dist_kernel(x_row_ref, x_all_ref, n_row_ref, n_all_ref, d_ref):
    x_r = x_row_ref[0]
    x_c = x_all_ref[0]
    dot = jax.lax.dot_general(
        x_r, x_c, (((1,), (1,)), ((), ())),
        preferred_element_type=jnp.float32)
    d_ref[0] = (n_row_ref[0] + n_all_ref[0]) - 2.0 * dot


def _distances(h, x2_r, x2_c):
    n_samples = h.shape[0]
    grid = (n_samples, N_POINTS // ROW_BLOCK)
    return pl.pallas_call(
        _dist_kernel,
        grid=grid,
        in_specs=[
            pl.BlockSpec((1, ROW_BLOCK, N_DIMS), lambda s, r: (s, r, 0)),
            pl.BlockSpec((1, N_POINTS, N_DIMS), lambda s, r: (s, 0, 0)),
            pl.BlockSpec((1, ROW_BLOCK, 1), lambda s, r: (s, r, 0)),
            pl.BlockSpec((1, 1, N_POINTS), lambda s, r: (s, 0, 0)),
        ],
        out_specs=pl.BlockSpec((1, ROW_BLOCK, N_POINTS), lambda s, r: (s, r, 0)),
        out_shape=jax.ShapeDtypeStruct((n_samples, N_POINTS, N_POINTS),
                                       jnp.float32),
    )(h, h, x2_r, x2_c)


def _sc_topk(d2):
    mesh = plsc.VectorSubcoreMesh(core_axis_name="c", subcore_axis_name="s")

    @functools.partial(
        pl.kernel, mesh=mesh,
        out_type=jax.ShapeDtypeStruct((ROWS_TOTAL * K,), jnp.int32),
        compiler_params=pltpu.CompilerParams(needs_layout_passes=False),
        scratch_types=[
            pltpu.VMEM((2 * N_POINTS,), jnp.float32),
            pltpu.VMEM((CAP + 32,), jnp.float32),
            pltpu.VMEM((CAP + 32,), jnp.int32),
            pltpu.VMEM((OUT_GROUP * K,), jnp.int32),
            pltpu.SemaphoreType.DMA,
        ],
    )
    def topk_kernel(d_hbm, out_hbm, row_v, cv, ci, outb, sem):
        wid = lax.axis_index("s") * 2 + lax.axis_index("c")
        row0 = wid * ROWS_PER_W

        def dma_row(r, buf):
            return pltpu.make_async_copy(
                d_hbm.at[pl.ds(r * N_POINTS, N_POINTS)],
                row_v.at[pl.ds(buf * N_POINTS, N_POINTS)], sem)

        dma_row(row0, 0).start()

        def process_row(local, _):
            r = row0 + local
            buf = lax.rem(local, 2)
            dma_row(r, buf).wait()

            @pl.when(local + 1 < ROWS_PER_W)
            def _():
                dma_row(r + 1, 1 - buf).start()

            rvbase = buf * N_POINTS
            def p1(i, m):
                mm = m
                for u in range(8):
                    mm = jnp.minimum(mm, row_v[pl.ds(rvbase + (i * 8 + u) * 16, 16)])
                return mm
            m = lax.fori_loop(1, 16, p1, row_v[pl.ds(rvbase, 16)])
            for u in range(1, 8):
                m = jnp.minimum(m, row_v[pl.ds(rvbase + u * 16, 16)])
            ms, _ = plsc.sort_key_val(m, m)
            t = ms[15]

            def p2(i, off):
                for u in range(4):
                    j = i * 4 + u
                    v = row_v[pl.ds(rvbase + j * 16, 16)]
                    mask = v <= t
                    cnt_vec = plsc.all_reduce_population_count(mask)
                    cnt = cnt_vec[0]

                    @pl.when(jnp.logical_and(cnt > 0, off < CAP))
                    def _():
                        iv = lax.iota(jnp.int32, 16) + j * 16
                        plsc.store_compressed(cv.at[pl.ds(off, 16)], v, mask=mask)
                        plsc.store_compressed(ci.at[pl.ds(off, 16)], iv, mask=mask)
                    off = jnp.minimum(off + cnt, CAP)
                return off
            off = lax.fori_loop(0, 32, p2, jnp.int32(0))

            cv[pl.ds(off, 16)] = jnp.full((16,), jnp.inf, jnp.float32)

            bv, bi = plsc.sort_key_val(cv[pl.ds(0, 16)], ci[pl.ds(0, 16)])
            nv = lax.div(off + 15, 16)

            def mrg(j, carry):
                bv, bi = carry
                csv, csi = plsc.sort_key_val(cv[pl.ds(j * 16, 16)],
                                             ci[pl.ds(j * 16, 16)])
                rvv = lax.rev(csv, (0,))
                rii = lax.rev(csi, (0,))
                swap = rvv < bv
                lov = jnp.where(swap, rvv, bv)
                loi = jnp.where(swap, rii, bi)
                nbv, nbi = plsc.sort_key_val(lov, loi)
                return (nbv, nbi)
            bv, bi = lax.fori_loop(1, nv, mrg, (bv, bi))

            outb[pl.ds(lax.rem(local, OUT_GROUP) * K, K)] = bi

            @pl.when(lax.rem(local, OUT_GROUP) == OUT_GROUP - 1)
            def _():
                base = (r - (OUT_GROUP - 1)) * K
                pltpu.sync_copy(outb, out_hbm.at[pl.ds(base, OUT_GROUP * K)])
            return 0

        lax.fori_loop(0, ROWS_PER_W, process_row, 0)

    return topk_kernel(d2)


def knn_hybrid(h):
    n_samples, n_points, _ = h.shape
    x2 = jnp.sum(h * h, axis=-1)
    d = _distances(h, x2[:, :, None], x2[:, None, :])
    d2 = d.reshape(ROWS_TOTAL * N_POINTS)
    k_indices = _sc_topk(d2).reshape(n_samples, n_points, K)
    src = jnp.repeat(jnp.arange(n_points, dtype=jnp.int32), K)
    dst = k_indices.reshape(n_samples, n_points * K)
    return (k_indices, src, dst)


def kernel(h):
    return knn_hybrid(h)

# --- scband reference (transcript-rebuilt; emitter-appended) ---
"""Pipeline reference for scband-nearest-neighbor-graph-21646635172272 (READ-ONLY COPY).

The authoritative reference and input builder live on the scoring server;
editing this copy changes nothing except your own understanding.
"""

import jax, jax.numpy as jnp
import numpy as np

K = 16

def pairwise_squared_distance(x):
    x2s = jnp.sum(x * x, axis=-1, keepdims=True)
    return x2s + jnp.swapaxes(x2s, -1, -2) - 2.0 * (x @ jnp.swapaxes(x, -1, -2))

def setup_inputs(seed: int = 0) -> dict:
    key = jax.random.key(seed)
    h = jax.random.normal(key, (16, 2048, 256), dtype=jnp.float32)
    return {"h": h}

def reference(h):
    n_samples, n_points, n_dims = h.shape
    # torch.no_grad() region: distance + topk (smallest K)
    d = pairwise_squared_distance(h)
    neg_vals, k_indices = jax.lax.top_k(-d, K)  # smallest-K distances
    # src indices: (zeros_like(k_indices[0]) + arange(n_points)[:, None]).flatten()
    src = (jnp.zeros_like(k_indices[0]) + jnp.arange(n_points)[:, None]).flatten()
    # dst edges per sample: k_indices[i].flatten(); stacked as (n_samples, n_points*K)
    dst = k_indices.reshape(n_samples, n_points * K)
    return (k_indices, src, dst)

if __name__ == "__main__":
    import jax
    _d = setup_inputs()
    print(jax.jit(kernel)(*tuple(_d.values())))

</pallas_src>

<mosaic_0001>
#map = affine_map<(d0, d1) -> (0)>
module attributes {stable_mosaic.version = 14 : i64} {
  func.func @topk_kernel(%arg0: i32, %arg1: i32, %arg2: memref<67108864xf32, #tpu.memory_space<hbm>>, %arg3: memref<524288xi32, #tpu.memory_space<hbm>>, %arg4: memref<4096xf32, #tpu.memory_space<vmem>>, %arg5: memref<544xf32, #tpu.memory_space<vmem>>, %arg6: memref<544xi32, #tpu.memory_space<vmem>>, %arg7: memref<2048xi32, #tpu.memory_space<vmem>>, %arg8: memref<!tpu.dma_semaphore, #tpu.memory_space<semaphore_mem>>) attributes {dimension_semantics = [#tpu.dimension_semantics<core_parallel>, #tpu.dimension_semantics<subcore_parallel>], iteration_bounds = array<i64: 2, 16>, scalar_prefetch = 0 : i64, scratch_operands = 5 : i64, tpu.core_type = #tpu.core_type<sc_vector_subcore>, window_params = [{transform_indices = #map}, {transform_indices = #map}]} {
    %mul3A = arith.constant 2 : i32
    %mul3A_0 = arith.muli %arg1, %mul3A : i32
    %add3A = arith.addi %mul3A_0, %arg0 : i32
    %mul3A_1 = arith.constant 1024 : i32
    %mul3A_2 = arith.muli %add3A, %mul3A_1 : i32
    %mul3A_3 = arith.constant 2048 : i32
    %mul3A_4 = arith.muli %mul3A_2, %mul3A_3 : i32
    %dma_start3A = arith.constant 0 : i32
    %dma_start3A_5 = tpu.memref_slice %arg4[%dma_start3A] : memref<4096xf32, #tpu.memory_space<vmem>> -> memref<2048xf32, #tpu.memory_space<vmem>>
    %dma_start3A_6 = tpu.memref_slice %arg2[%mul3A_4] : memref<67108864xf32, #tpu.memory_space<hbm>> -> memref<2048xf32, #tpu.memory_space<hbm>>
    %dma_start3A_7 = arith.constant 0 : i32
    %dma_start3A_8 = tpu.memref_slice %arg4[%dma_start3A_7] : memref<4096xf32, #tpu.memory_space<vmem>> -> memref<2048xf32, #tpu.memory_space<vmem>>
    %dma_start3A_9 = tpu.memref_slice %arg2[%mul3A_4] : memref<67108864xf32, #tpu.memory_space<hbm>> -> memref<2048xf32, #tpu.memory_space<hbm>>
    tpu.enqueue_dma source(%dma_start3A_9 : memref<2048xf32, #tpu.memory_space<hbm>>) target(%dma_start3A_8 : memref<2048xf32, #tpu.memory_space<vmem>>) target_semaphore(%arg8 : memref<!tpu.dma_semaphore, #tpu.memory_space<semaphore_mem>>)
    %scan3A = arith.constant 0 : i32
    %scan3A_10 = arith.constant 0 : i32
    %scan3A_11 = arith.constant 1024 : i32
    %scan3A_12 = arith.addi %scan3A_10, %scan3A_11 : i32
    %scan3A_13 = arith.constant 1 : i32
    %scan3A_14 = scf.for %scan3A_16 = %scan3A_10 to %scan3A_12 step %scan3A_13 iter_args(%scan3A_17 = %scan3A) -> (i32)  : i32 {
      %add3A_18 = arith.addi %mul3A_2, %scan3A_16 : i32
      %rem3A = arith.constant 2 : i32
      %rem3A_19 = arith.remsi %scan3A_16, %rem3A : i32
      %mul3A_20 = arith.constant 2048 : i32
      %mul3A_21 = arith.muli %add3A_18, %mul3A_20 : i32
      %mul3A_22 = arith.constant 2048 : i32
      %mul3A_23 = arith.muli %rem3A_19, %mul3A_22 : i32
      %dma_wait3A = tpu.memref_slice %arg4[%mul3A_23] : memref<4096xf32, #tpu.memory_space<vmem>> -> memref<2048xf32, #tpu.memory_space<vmem>>
      %dma_wait3A_24 = tpu.memref_slice %arg2[%mul3A_21] : memref<67108864xf32, #tpu.memory_space<hbm>> -> memref<2048xf32, #tpu.memory_space<hbm>>
      %dma_wait3A_25 = tpu.memref_slice %arg4[%mul3A_23] : memref<4096xf32, #tpu.memory_space<vmem>> -> memref<2048xf32, #tpu.memory_space<vmem>>
      %dma_wait3A_26 = tpu.memref_slice %arg2[%mul3A_21] : memref<67108864xf32, #tpu.memory_space<hbm>> -> memref<2048xf32, #tpu.memory_space<hbm>>
      tpu.wait_dma2 semaphore(%arg8 : memref<!tpu.dma_semaphore, #tpu.memory_space<semaphore_mem>>) src(%dma_wait3A_26 : memref<2048xf32, #tpu.memory_space<hbm>>) dst(%dma_wait3A_25 : memref<2048xf32, #tpu.memory_space<vmem>>)
      %add3A_27 = arith.constant 1 : i32
      %add3A_28 = arith.addi %scan3A_16, %add3A_27 : i32
      %lt3A = arith.constant 1024 : i32
      %lt3A_29 = arith.cmpi slt, %add3A_28, %lt3A : i32
      %convert_element_type3A = arith.extui %lt3A_29 : i1 to i32
      %cond3A = arith.constant 0 : i32
      %cond3A_30 = arith.cmpi ne, %convert_element_type3A, %cond3A : i32
      scf.if %cond3A_30 {
        %add3A_120 = arith.constant 1 : i32
        %add3A_121 = arith.addi %add3A_18, %add3A_120 : i32
        %sub3A = arith.constant 1 : i32
        %sub3A_122 = arith.subi %sub3A, %rem3A_19 : i32
        %mul3A_123 = arith.constant 2048 : i32
        %mul3A_124 = arith.muli %add3A_121, %mul3A_123 : i32
        %mul3A_125 = arith.constant 2048 : i32
        %mul3A_126 = arith.muli %sub3A_122, %mul3A_125 : i32
        %dma_start3A_127 = tpu.memref_slice %arg4[%mul3A_126] : memref<4096xf32, #tpu.memory_space<vmem>> -> memref<2048xf32, #tpu.memory_space<vmem>>
        %dma_start3A_128 = tpu.memref_slice %arg2[%mul3A_124] : memref<67108864xf32, #tpu.memory_space<hbm>> -> memref<2048xf32, #tpu.memory_space<hbm>>
        %dma_start3A_129 = tpu.memref_slice %arg4[%mul3A_126] : memref<4096xf32, #tpu.memory_space<vmem>> -> memref<2048xf32, #tpu.memory_space<vmem>>
        %dma_start3A_130 = tpu.memref_slice %arg2[%mul3A_124] : memref<67108864xf32, #tpu.memory_space<hbm>> -> memref<2048xf32, #tpu.memory_space<hbm>>
        tpu.enqueue_dma source(%dma_start3A_130 : memref<2048xf32, #tpu.memory_space<hbm>>) target(%dma_start3A_129 : memref<2048xf32, #tpu.memory_space<vmem>>) target_semaphore(%arg8 : memref<!tpu.dma_semaphore, #tpu.memory_space<semaphore_mem>>)
      } else {
      }
      %mul3A_31 = arith.constant 2048 : i32
      %mul3A_32 = arith.muli %rem3A_19, %mul3A_31 : i32
      %get3A = arith.index_cast %mul3A_32 : i32 to index
      %get3A_33 = tpu.vector_load %arg4[%get3A] {strides = array<i32>} : memref<4096xf32, #tpu.memory_space<vmem>>, vector<16xf32>,
      %scan3A_34 = arith.constant 1 : i32
      %scan3A_35 = arith.constant 15 : i32
      %scan3A_36 = arith.addi %scan3A_34, %scan3A_35 : i32
      %scan3A_37 = arith.constant 1 : i32
      %scan3A_38 = scf.for %scan3A_120 = %scan3A_34 to %scan3A_36 step %scan3A_37 iter_args(%scan3A_121 = %get3A_33) -> (vector<16xf32>)  : i32 {
        %mul3A_122 = arith.constant 8 : i32
        %mul3A_123 = arith.muli %scan3A_120, %mul3A_122 : i32
        %add3A_124 = arith.constant 0 : i32
        %add3A_125 = arith.addi %mul3A_123, %add3A_124 : i32
        %mul3A_126 = arith.constant 16 : i32
        %mul3A_127 = arith.muli %add3A_125, %mul3A_126 : i32
        %add3A_128 = arith.addi %mul3A_32, %mul3A_127 : i32
        %get3A_129 = arith.index_cast %add3A_128 : i32 to index
        %get3A_130 = tpu.vector_load %arg4[%get3A_129] {strides = array<i32>} : memref<4096xf32, #tpu.memory_space<vmem>>, vector<16xf32>,
        %min3A_131 = arith.minimumf %scan3A_121, %get3A_130 : vector<16xf32>
        %mul3A_132 = arith.constant 8 : i32
        %mul3A_133 = arith.muli %scan3A_120, %mul3A_132 : i32
        %add3A_134 = arith.constant 1 : i32
        %add3A_135 = arith.addi %mul3A_133, %add3A_134 : i32
        %mul3A_136 = arith.constant 16 : i32
        %mul3A_137 = arith.muli %add3A_135, %mul3A_136 : i32
        %add3A_138 = arith.addi %mul3A_32, %mul3A_137 : i32
        %get3A_139 = arith.index_cast %add3A_138 : i32 to index
        %get3A_140 = tpu.vector_load %arg4[%get3A_139] {strides = array<i32>} : memref<4096xf32, #tpu.memory_space<vmem>>, vector<16xf32>,
        %min3A_141 = arith.minimumf %min3A_131, %get3A_140 : vector<16xf32>
        %mul3A_142 = arith.constant 8 : i32
        %mul3A_143 = arith.muli %scan3A_120, %mul3A_142 : i32
        %add3A_144 = arith.constant 2 : i32
        %add3A_145 = arith.addi %mul3A_143, %add3A_144 : i32
        %mul3A_146 = arith.constant 16 : i32
        %mul3A_147 = arith.muli %add3A_145, %mul3A_146 : i32
        %add3A_148 = arith.addi %mul3A_32, %mul3A_147 : i32
        %get3A_149 = arith.index_cast %add3A_148 : i32 to index
        %get3A_150 = tpu.vector_load %arg4[%get3A_149] {strides = array<i32>} : memref<4096xf32, #tpu.memory_space<vmem>>, vector<16xf32>,
        %min3A_151 = arith.minimumf %min3A_141, %get3A_150 : vector<16xf32>
        %mul3A_152 = arith.constant 8 : i32
        %mul3A_153 = arith.muli %scan3A_120, %mul3A_152 : i32
        %add3A_154 = arith.constant 3 : i32
        %add3A_155 = arith.addi %mul3A_153, %add3A_154 : i32
        %mul3A_156 = arith.constant 16 : i32
        %mul3A_157 = arith.muli %add3A_155, %mul3A_156 : i32
        %add3A_158 = arith.addi %mul3A_32, %mul3A_157 : i32
        %get3A_159 = arith.index_cast %add3A_158 : i32 to index
        %get3A_160 = tpu.vector_load %arg4[%get3A_159] {strides = array<i32>} : memref<4096xf32, #tpu.memory_space<vmem>>, vector<16xf32>,
        %min3A_161 = arith.minimumf %min3A_151, %get3A_160 : vector<16xf32>
        %mul3A_162 = arith.constant 8 : i32
        %mul3A_163 = arith.muli %scan3A_120, %mul3A_162 : i32
        %add3A_164 = arith.constant 4 : i32
        %add3A_165 = arith.addi %mul3A_163, %add3A_164 : i32
        %mul3A_166 = arith.constant 16 : i32
        %mul3A_167 = arith.muli %add3A_165, %mul3A_166 : i32
        %add3A_168 = arith.addi %mul3A_32, %mul3A_167 : i32
        %get3A_169 = arith.index_cast %add3A_168 : i32 to index
        %get3A_170 = tpu.vector_load %arg4[%get3A_169] {strides = array<i32>} : memref<4096xf32, #tpu.memory_space<vmem>>, vector<16xf32>,
        %min3A_171 = arith.minimumf %min3A_161, %get3A_170 : vector<16xf32>
        %mul3A_172 = arith.constant 8 : i32
        %mul3A_173 = arith.muli %scan3A_120, %mul3A_172 : i32
        %add3A_174 = arith.constant 5 : i32
        %add3A_175 = arith.addi %mul3A_173, %add3A_174 : i32
        %mul3A_176 = arith.constant 16 : i32
        %mul3A_177 = arith.muli %add3A_175, %mul3A_176 : i32
        %add3A_178 = arith.addi %mul3A_32, %mul3A_177 : i32
        %get3A_179 = arith.index_cast %add3A_178 : i32 to index
        %get3A_180 = tpu.vector_load %arg4[%get3A_179] {strides = array<i32>} : memref<4096xf32, #tpu.memory_space<vmem>>, vector<16xf32>,
        %min3A_181 = arith.minimumf %min3A_171, %get3A_180 : vector<16xf32>
        %mul3A_182 = arith.constant 8 : i32
        %mul3A_183 = arith.muli %scan3A_120, %mul3A_182 : i32
        %add3A_184 = arith.constant 6 : i32
        %add3A_185 = arith.addi %mul3A_183, %add3A_184 : i32
        %mul3A_186 = arith.constant 16 : i32
        %mul3A_187 = arith.muli %add3A_185, %mul3A_186 : i32
        %add3A_188 = arith.addi %mul3A_32, %mul3A_187 : i32
        %get3A_189 = arith.index_cast %add3A_188 : i32 to index
        %get3A_190 = tpu.vector_load %arg4[%get3A_189] {strides = array<i32>} : memref<4096xf32, #tpu.memory_space<vmem>>, vector<16xf32>,
        %min3A_191 = arith.minimumf %min3A_181, %get3A_190 : vector<16xf32>
        %mul3A_192 = arith.constant 8 : i32
        %mul3A_193 = arith.muli %scan3A_120, %mul3A_192 : i32
        %add3A_194 = arith.constant 7 : i32
        %add3A_195 = arith.addi %mul3A_193, %add3A_194 : i32
        %mul3A_196 = arith.constant 16 : i32
        %mul3A_197 = arith.muli %add3A_195, %mul3A_196 : i32
        %add3A_198 = arith.addi %mul3A_32, %mul3A_197 : i32
        %get3A_199 = arith.index_cast %add3A_198 : i32 to index
        %get3A_200 = tpu.vector_load %arg4[%get3A_199] {strides = array<i32>} : memref<4096xf32, #tpu.memory_space<vmem>>, vector<16xf32>,
        %min3A_201 = arith.minimumf %min3A_191, %get3A_200 : vector<16xf32>
        scf.yield %min3A_201 : vector<16xf32>
      }
      %scan3A_39 = arith.constant 15 : i32
      %add3A_40 = arith.constant 16 : i32
      %add3A_41 = arith.addi %mul3A_32, %add3A_40 : i32
      %get3A_42 = arith.index_cast %add3A_41 : i32 to index
      %get3A_43 = tpu.vector_load %arg4[%get3A_42] {strides = array<i32>} : memref<4096xf32, #tpu.memory_space<vmem>>, vector<16xf32>,
      %min3A = arith.minimumf %scan3A_38, %get3A_43 : vector<16xf32>
      %add3A_44 = arith.constant 32 : i32
      %add3A_45 = arith.addi %mul3A_32, %add3A_44 : i32
      %get3A_46 = arith.index_cast %add3A_45 : i32 to index
      %get3A_47 = tpu.vector_load %arg4[%get3A_46] {strides = array<i32>} : memref<4096xf32, #tpu.memory_space<vmem>>, vector<16xf32>,
      %min3A_48 = arith.minimumf %min3A, %get3A_47 : vector<16xf32>
      %add3A_49 = arith.constant 48 : i32
      %add3A_50 = arith.addi %mul3A_32, %add3A_49 : i32
      %get3A_51 = arith.index_cast %add3A_50 : i32 to index
      %get3A_52 = tpu.vector_load %arg4[%get3A_51] {strides = array<i32>} : memref<4096xf32, #tpu.memory_space<vmem>>, vector<16xf32>,
      %min3A_53 = arith.minimumf %min3A_48, %get3A_52 : vector<16xf32>
      %add3A_54 = arith.constant 64 : i32
      %add3A_55 = arith.addi %mul3A_32, %add3A_54 : i32
      %get3A_56 = arith.index_cast %add3A_55 : i32 to index
      %get3A_57 = tpu.vector_load %arg4[%get3A_56] {strides = array<i32>} : memref<4096xf32, #tpu.memory_space<vmem>>, vector<16xf32>,
      %min3A_58 = arith.minimumf %min3A_53, %get3A_57 : vector<16xf32>
      %add3A_59 = arith.constant 80 : i32
      %add3A_60 = arith.addi %mul3A_32, %add3A_59 : i32
      %get3A_61 = arith.index_cast %add3A_60 : i32 to index
      %get3A_62 = tpu.vector_load %arg4[%get3A_61] {strides = array<i32>} : memref<4096xf32, #tpu.memory_space<vmem>>, vector<16xf32>,
      %min3A_63 = arith.minimumf %min3A_58, %get3A_62 : vector<16xf32>
      %add3A_64 = arith.constant 96 : i32
      %add3A_65 = arith.addi %mul3A_32, %add3A_64 : i32
      %get3A_66 = arith.index_cast %add3A_65 : i32 to index
      %get3A_67 = tpu.vector_load %arg4[%get3A_66] {strides = array<i32>} : memref<4096xf32, #tpu.memory_space<vmem>>, vector<16xf32>,
      %min3A_68 = arith.minimumf %min3A_63, %get3A_67 : vector<16xf32>
      %add3A_69 = arith.constant 112 : i32
      %add3A_70 = arith.addi %mul3A_32, %add3A_69 : i32
      %get3A_71 = arith.index_cast %add3A_70 : i32 to index
      %get3A_72 = tpu.vector_load %arg4[%get3A_71] {strides = array<i32>} : memref<4096xf32, #tpu.memory_space<vmem>>, vector<16xf32>,
      %min3A_73 = arith.minimumf %min3A_68, %get3A_72 : vector<16xf32>
      %masked_sort3A = arith.constant dense<true> : vector<16xi1>
      %masked_sort3A_74, %masked_sort3A_75, %masked_sort3A_76 = tpu.sort %min3A_73, %min3A_73 masked %masked_sort3A : (vector<16xf32>, vector<16xf32>, vector<16xi1>) -> (vector<16xi1>, vector<16xf32>, vector<16xf32>)
      %slice3A = vector.extract_strided_slice %masked_sort3A_75 {offsets = [15], sizes = [1], strides = [1]} : vector<16xf32> to vector<1xf32>
      %squeeze3A = vector.extract %slice3A[0] : f32 from vector<1xf32>
      %scan3A_77 = arith.constant 0 : i32
      %scan3A_78 = arith.constant 0 : i32
      %scan3A_79 = arith.constant 32 : i32
      %scan3A_80 = arith.addi %scan3A_78, %scan3A_79 : i32
      %scan3A_81 = arith.constant 1 : i32
      %scan3A_82 = scf.for %scan3A_120 = %scan3A_78 to %scan3A_80 step %scan3A_81 iter_args(%scan3A_121 = %scan3A_77) -> (i32)  : i32 {
        %mul3A_122 = arith.constant 4 : i32
        %mul3A_123 = arith.muli %scan3A_120, %mul3A_122 : i32
        %add3A_124 = arith.constant 0 : i32
        %add3A_125 = arith.addi %mul3A_123, %add3A_124 : i32
        %mul3A_126 = arith.constant 16 : i32
        %mul3A_127 = arith.muli %add3A_125, %mul3A_126 : i32
        %add3A_128 = arith.addi %mul3A_32, %mul3A_127 : i32
        %get3A_129 = arith.index_cast %add3A_128 : i32 to index
        %get3A_130 = tpu.vector_load %arg4[%get3A_129] {strides = array<i32>} : memref<4096xf32, #tpu.memory_space<vmem>>, vector<16xf32>,
        %le3A = vector.broadcast %squeeze3A : f32 to vector<16xf32>
        %le3A_131 = arith.cmpf ole, %get3A_130, %le3A : vector<16xf32>
        %all_reduce_population_count3A = tpu.all_reduce %le3A_131 {dim = 0 : i64, kind = #tpu.reduction_kind<sum>} : vector<16xi1> -> vector<16xi32>
        %slice3A_132 = vector.extract_strided_slice %all_reduce_population_count3A {offsets = [0], sizes = [1], strides = [1]} : vector<16xi32> to vector<1xi32>
        %squeeze3A_133 = vector.extract %slice3A_132[0] : i32 from vector<1xi32>
        %gt3A = arith.constant 0 : i32
        %gt3A_134 = arith.cmpi sgt, %squeeze3A_133, %gt3A : i32
        %lt3A_135 = arith.constant 512 : i32
        %lt3A_136 = arith.cmpi slt, %scan3A_121, %lt3A_135 : i32
        %and3A = arith.andi %gt3A_134, %lt3A_136 : i1
        %convert_element_type3A_137 = arith.extui %and3A : i1 to i32
        %cond3A_138 = arith.constant 0 : i32
        %cond3A_139 = arith.cmpi ne, %convert_element_type3A_137, %cond3A_138 : i32
        scf.if %cond3A_139 {
          %iota3A = tpu.iota {dimensions = array<i32: 0>} : vector<16xi32>
          %mul3A_218 = arith.constant 16 : i32
          %mul3A_219 = arith.muli %add3A_125, %mul3A_218 : i32
          %add3A_220 = vector.broadcast %mul3A_219 : i32 to vector<16xi32>
          %add3A_221 = arith.addi %iota3A, %add3A_220 : vector<16xi32>
          %swap3A_222 = arith.index_cast %scan3A_121 : i32 to index
          %swap3A_223 = tpu.vector_load %arg5[%swap3A_222] masked %le3A_131 {strides = array<i32>} : memref<544xf32, #tpu.memory_space<vmem>>, vector<16xf32>, vector<16xi1>
          tpu.vector_store %arg5[%swap3A_222], %get3A_130 masked %le3A_131 {strides = array<i32>} : memref<544xf32, #tpu.memory_space<vmem>>, vector<16xf32>, vector<16xi1>
          %swap3A_224 = arith.index_cast %scan3A_121 : i32 to index
          %swap3A_225 = tpu.vector_load %arg6[%swap3A_224] masked %le3A_131 {strides = array<i32>} : memref<544xi32, #tpu.memory_space<vmem>>, vector<16xi32>, vector<16xi1>
          tpu.vector_store %arg6[%swap3A_224], %add3A_221 masked %le3A_131 {strides = array<i32>} : memref<544xi32, #tpu.memory_space<vmem>>, vector<16xi32>, vector<16xi1>
        } else {
        }
        %add3A_140 = arith.addi %scan3A_121, %squeeze3A_133 : i32
        %min3A_141 = arith.constant 512 : i32
        %min3A_142 = arith.minsi %add3A_140, %min3A_141 : i32
        %mul3A_143 = arith.constant 4 : i32
        %mul3A_144 = arith.muli %scan3A_120, %mul3A_143 : i32
        %add3A_145 = arith.constant 1 : i32
        %add3A_146 = arith.addi %mul3A_144, %add3A_145 : i32
        %mul3A_147 = arith.constant 16 : i32
        %mul3A_148 = arith.muli %add3A_146, %mul3A_147 : i32
        %add3A_149 = arith.addi %mul3A_32, %mul3A_148 : i32
        %get3A_150 = arith.index_cast %add3A_149 : i32 to index
        %get3A_151 = tpu.vector_load %arg4[%get3A_150] {strides = array<i32>} : memref<4096xf32, #tpu.memory_space<vmem>>, vector<16xf32>,
        %le3A_152 = vector.broadcast %squeeze3A : f32 to vector<16xf32>
        %le3A_153 = arith.cmpf ole, %get3A_151, %le3A_152 : vector<16xf32>
        %all_reduce_population_count3A_154 = tpu.all_reduce %le3A_153 {dim = 0 : i64, kind = #tpu.reduction_kind<sum>} : vector<16xi1> -> vector<16xi32>
        %slice3A_155 = vector.extract_strided_slice %all_reduce_population_count3A_154 {offsets = [0], sizes = [1], strides = [1]} : vector<16xi32> to vector<1xi32>
        %squeeze3A_156 = vector.extract %slice3A_155[0] : i32 from vector<1xi32>
        %gt3A_157 = arith.constant 0 : i32
        %gt3A_158 = arith.cmpi sgt, %squeeze3A_156, %gt3A_157 : i32
        %lt3A_159 = arith.constant 512 : i32
        %lt3A_160 = arith.cmpi slt, %min3A_142, %lt3A_159 : i32
        %and3A_161 = arith.andi %gt3A_158, %lt3A_160 : i1
        %convert_element_type3A_162 = arith.extui %and3A_161 : i1 to i32
        %cond3A_163 = arith.constant 0 : i32
        %cond3A_164 = arith.cmpi ne, %convert_element_type3A_162, %cond3A_163 : i32
        scf.if %cond3A_164 {
          %iota3A = tpu.iota {dimensions = array<i32: 0>} : vector<16xi32>
          %mul3A_218 = arith.constant 16 : i32
          %mul3A_219 = arith.muli %add3A_146, %mul3A_218 : i32
          %add3A_220 = vector.broadcast %mul3A_219 : i32 to vector<16xi32>
          %add3A_221 = arith.addi %iota3A, %add3A_220 : vector<16xi32>
          %swap3A_222 = arith.index_cast %min3A_142 : i32 to index
          %swap3A_223 = tpu.vector_load %arg5[%swap3A_222] masked %le3A_153 {strides = array<i32>} : memref<544xf32, #tpu.memory_space<vmem>>, vector<16xf32>, vector<16xi1>
          tpu.vector_store %arg5[%swap3A_222], %get3A_151 masked %le3A_153 {strides = array<i32>} : memref<544xf32, #tpu.memory_space<vmem>>, vector<16xf32>, vector<16xi1>
          %swap3A_224 = arith.index_cast %min3A_142 : i32 to index
          %swap3A_225 = tpu.vector_load %arg6[%swap3A_224] masked %le3A_153 {strides = array<i32>} : memref<544xi32, #tpu.memory_space<vmem>>, vector<16xi32>, vector<16xi1>
          tpu.vector_store %arg6[%swap3A_224], %add3A_221 masked %le3A_153 {strides = array<i32>} : memref<544xi32, #tpu.memory_space<vmem>>, vector<16xi32>, vector<16xi1>
        } else {
        }
        %add3A_165 = arith.addi %min3A_142, %squeeze3A_156 : i32
        %min3A_166 = arith.constant 512 : i32
        %min3A_167 = arith.minsi %add3A_165, %min3A_166 : i32
        %mul3A_168 = arith.constant 4 : i32
        %mul3A_169 = arith.muli %scan3A_120, %mul3A_168 : i32
        %add3A_170 = arith.constant 2 : i32
        %add3A_171 = arith.addi %mul3A_169, %add3A_170 : i32
        %mul3A_172 = arith.constant 16 : i32
        %mul3A_173 = arith.muli %add3A_171, %mul3A_172 : i32
        %add3A_174 = arith.addi %mul3A_32, %mul3A_173 : i32
        %get3A_175 = arith.index_cast %add3A_174 : i32 to index
        %get3A_176 = tpu.vector_load %arg4[%get3A_175] {strides = array<i32>} : memref<4096xf32, #tpu.memory_space<vmem>>, vector<16xf32>,
        %le3A_177 = vector.broadcast %squeeze3A : f32 to vector<16xf32>
        %le3A_178 = arith.cmpf ole, %get3A_176, %le3A_177 : vector<16xf32>
        %all_reduce_population_count3A_179 = tpu.all_reduce %le3A_178 {dim = 0 : i64, kind = #tpu.reduction_kind<sum>} : vector<16xi1> -> vector<16xi32>
        %slice3A_180 = vector.extract_strided_slice %all_reduce_population_count3A_179 {offsets = [0], sizes = [1], strides = [1]} : vector<16xi32> to vector<1xi32>
        %squeeze3A_181 = vector.extract %slice3A_180[0] : i32 from vector<1xi32>
        %gt3A_182 = arith.constant 0 : i32
        %gt3A_183 = arith.cmpi sgt, %squeeze3A_181, %gt3A_182 : i32
        %lt3A_184 = arith.constant 512 : i32
        %lt3A_185 = arith.cmpi slt, %min3A_167, %lt3A_184 : i32
        %and3A_186 = arith.andi %gt3A_183, %lt3A_185 : i1
        %convert_element_type3A_187 = arith.extui %and3A_186 : i1 to i32
        %cond3A_188 = arith.constant 0 : i32
        %cond3A_189 = arith.cmpi ne, %convert_element_type3A_187, %cond3A_188 : i32
        scf.if %cond3A_189 {
          %iota3A = tpu.iota {dimensions = array<i32: 0>} : vector<16xi32>
          %mul3A_218 = arith.constant 16 : i32
          %mul3A_219 = arith.muli %add3A_171, %mul3A_218 : i32
          %add3A_220 = vector.broadcast %mul3A_219 : i32 to vector<16xi32>
          %add3A_221 = arith.addi %iota3A, %add3A_220 : vector<16xi32>
          %swap3A_222 = arith.index_cast %min3A_167 : i32 to index
          %swap3A_223 = tpu.vector_load %arg5[%swap3A_222] masked %le3A_178 {strides = array<i32>} : memref<544xf32, #tpu.memory_space<vmem>>, vector<16xf32>, vector<16xi1>
          tpu.vector_store %arg5[%swap3A_222], %get3A_176 masked %le3A_178 {strides = array<i32>} : memref<544xf32, #tpu.memory_space<vmem>>, vector<16xf32>, vector<16xi1>
          %swap3A_224 = arith.index_cast %min3A_167 : i32 to index
          %swap3A_225 = tpu.vector_load %arg6[%swap3A_224] masked %le3A_178 {strides = array<i32>} : memref<544xi32, #tpu.memory_space<vmem>>, vector<16xi32>, vector<16xi1>
          tpu.vector_store %arg6[%swap3A_224], %add3A_221 masked %le3A_178 {strides = array<i32>} : memref<544xi32, #tpu.memory_space<vmem>>, vector<16xi32>, vector<16xi1>
        } else {
        }
        %add3A_190 = arith.addi %min3A_167, %squeeze3A_181 : i32
        %min3A_191 = arith.constant 512 : i32
        %min3A_192 = arith.minsi %add3A_190, %min3A_191 : i32
        %mul3A_193 = arith.constant 4 : i32
        %mul3A_194 = arith.muli %scan3A_120, %mul3A_193 : i32
        %add3A_195 = arith.constant 3 : i32
        %add3A_196 = arith.addi %mul3A_194, %add3A_195 : i32
        %mul3A_197 = arith.constant 16 : i32
        %mul3A_198 = arith.muli %add3A_196, %mul3A_197 : i32
        %add3A_199 = arith.addi %mul3A_32, %mul3A_198 : i32
        %get3A_200 = arith.index_cast %add3A_199 : i32 to index
        %get3A_201 = tpu.vector_load %arg4[%get3A_200] {strides = array<i32>} : memref<4096xf32, #tpu.memory_space<vmem>>, vector<16xf32>,
        %le3A_202 = vector.broadcast %squeeze3A : f32 to vector<16xf32>
        %le3A_203 = arith.cmpf ole, %get3A_201, %le3A_202 : vector<16xf32>
        %all_reduce_population_count3A_204 = tpu.all_reduce %le3A_203 {dim = 0 : i64, kind = #tpu.reduction_kind<sum>} : vector<16xi1> -> vector<16xi32>
        %slice3A_205 = vector.extract_strided_slice %all_reduce_population_count3A_204 {offsets = [0], sizes = [1], strides = [1]} : vector<16xi32> to vector<1xi32>
        %squeeze3A_206 = vector.extract %slice3A_205[0] : i32 from vector<1xi32>
        %gt3A_207 = arith.constant 0 : i32
        %gt3A_208 = arith.cmpi sgt, %squeeze3A_206, %gt3A_207 : i32
        %lt3A_209 = arith.constant 512 : i32
        %lt3A_210 = arith.cmpi slt, %min3A_192, %lt3A_209 : i32
        %and3A_211 = arith.andi %gt3A_208, %lt3A_210 : i1
        %convert_element_type3A_212 = arith.extui %and3A_211 : i1 to i32
        %cond3A_213 = arith.constant 0 : i32
        %cond3A_214 = arith.cmpi ne, %convert_element_type3A_212, %cond3A_213 : i32
        scf.if %cond3A_214 {
          %iota3A = tpu.iota {dimensions = array<i32: 0>} : vector<16xi32>
          %mul3A_218 = arith.constant 16 : i32
          %mul3A_219 = arith.muli %add3A_196, %mul3A_218 : i32
          %add3A_220 = vector.broadcast %mul3A_219 : i32 to vector<16xi32>
          %add3A_221 = arith.addi %iota3A, %add3A_220 : vector<16xi32>
          %swap3A_222 = arith.index_cast %min3A_192 : i32 to index
          %swap3A_223 = tpu.vector_load %arg5[%swap3A_222] masked %le3A_203 {strides = array<i32>} : memref<544xf32, #tpu.memory_space<vmem>>, vector<16xf32>, vector<16xi1>
          tpu.vector_store %arg5[%swap3A_222], %get3A_201 masked %le3A_203 {strides = array<i32>} : memref<544xf32, #tpu.memory_space<vmem>>, vector<16xf32>, vector<16xi1>
          %swap3A_224 = arith.index_cast %min3A_192 : i32 to index
          %swap3A_225 = tpu.vector_load %arg6[%swap3A_224] masked %le3A_203 {strides = array<i32>} : memref<544xi32, #tpu.memory_space<vmem>>, vector<16xi32>, vector<16xi1>
          tpu.vector_store %arg6[%swap3A_224], %add3A_221 masked %le3A_203 {strides = array<i32>} : memref<544xi32, #tpu.memory_space<vmem>>, vector<16xi32>, vector<16xi1>
        } else {
        }
        %add3A_215 = arith.addi %min3A_192, %squeeze3A_206 : i32
        %min3A_216 = arith.constant 512 : i32
        %min3A_217 = arith.minsi %add3A_215, %min3A_216 : i32
        scf.yield %min3A_217 : i32
      }
      %scan3A_83 = arith.constant 32 : i32
      %broadcast_in_dim3A = arith.constant 0x7F800000 : f32
      %broadcast_in_dim3A_84 = vector.broadcast %broadcast_in_dim3A : f32 to vector<16xf32>
      %swap3A = arith.index_cast %scan3A_82 : i32 to index
      %swap3A_85 = tpu.vector_load %arg5[%swap3A] {strides = array<i32>} : memref<544xf32, #tpu.memory_space<vmem>>, vector<16xf32>,
      tpu.vector_store %arg5[%swap3A], %broadcast_in_dim3A_84 {strides = array<i32>} : memref<544xf32, #tpu.memory_space<vmem>>, vector<16xf32>,
      %get3A_86 = arith.constant 0 : index
      %get3A_87 = tpu.vector_load %arg5[%get3A_86] {strides = array<i32>} : memref<544xf32, #tpu.memory_space<vmem>>, vector<16xf32>,
      %get3A_88 = arith.constant 0 : index
      %get3A_89 = tpu.vector_load %arg6[%get3A_88] {strides = array<i32>} : memref<544xi32, #tpu.memory_space<vmem>>, vector<16xi32>,
      %masked_sort3A_90 = arith.constant dense<true> : vector<16xi1>
      %masked_sort3A_91, %masked_sort3A_92, %masked_sort3A_93 = tpu.sort %get3A_87, %get3A_89 masked %masked_sort3A_90 : (vector<16xf32>, vector<16xi32>, vector<16xi1>) -> (vector<16xi1>, vector<16xf32>, vector<16xi32>)
      %add3A_94 = arith.constant 15 : i32
      %add3A_95 = arith.addi %scan3A_82, %add3A_94 : i32
      %div3A = arith.constant 16 : i32
      %div3A_96 = arith.divsi %add3A_95, %div3A : i32
      %while3A = arith.constant 1 : i32
      %while3A_97 = arith.subi %div3A_96, %while3A : i32
      %while3A_98 = arith.addi %while3A, %while3A_97 : i32
      %while3A_99 = arith.constant 1 : i32
      %while3A_100 = arith.divsi %while3A_97, %while3A_99 : i32
      %while3A_101 = arith.muli %while3A_100, %while3A_99 : i32
      %while3A_102 = arith.addi %while3A, %while3A_101 : i32
      %while3A_103 = arith.constant 1 : i32
      %while3A_104:2 = scf.for %while3A_120 = %while3A to %while3A_102 step %while3A_103 iter_args(%while3A_121 = %masked_sort3A_92, %while3A_122 = %masked_sort3A_93) -> (vector<16xf32>, vector<16xi32>)  : i32 {
        %mul3A_123 = arith.constant 16 : i32
        %mul3A_124 = arith.muli %while3A_120, %mul3A_123 : i32
        %get3A_125 = arith.index_cast %mul3A_124 : i32 to index
        %get3A_126 = tpu.vector_load %arg5[%get3A_125] {strides = array<i32>} : memref<544xf32, #tpu.memory_space<vmem>>, vector<16xf32>,
        %mul3A_127 = arith.constant 16 : i32
        %mul3A_128 = arith.muli %while3A_120, %mul3A_127 : i32
        %get3A_129 = arith.index_cast %mul3A_128 : i32 to index
        %get3A_130 = tpu.vector_load %arg6[%get3A_129] {strides = array<i32>} : memref<544xi32, #tpu.memory_space<vmem>>, vector<16xi32>,
        %masked_sort3A_131 = arith.constant dense<true> : vector<16xi1>
        %masked_sort3A_132, %masked_sort3A_133, %masked_sort3A_134 = tpu.sort %get3A_126, %get3A_130 masked %masked_sort3A_131 : (vector<16xf32>, vector<16xi32>, vector<16xi1>) -> (vector<16xi1>, vector<16xf32>, vector<16xi32>)
        %rev3A = arith.constant 15 : i32
        %rev3A_135 = vector.broadcast %rev3A : i32 to vector<16xi32>
        %rev3A_136 = tpu.iota {dimensions = array<i32: 0>} : vector<16xi32>
        %rev3A_137 = arith.subi %rev3A_135, %rev3A_136 : vector<16xi32>
        %rev3A_138 = tpu.dynamic_gather %masked_sort3A_133[%rev3A_137] in [0] : vector<16xf32>, vector<16xi32> -> vector<16xf32>
        %rev3A_139 = arith.constant 15 : i32
        %rev3A_140 = vector.broadcast %rev3A_139 : i32 to vector<16xi32>
        %rev3A_141 = tpu.iota {dimensions = array<i32: 0>} : vector<16xi32>
        %rev3A_142 = arith.subi %rev3A_140, %rev3A_141 : vector<16xi32>
        %rev3A_143 = tpu.dynamic_gather %masked_sort3A_134[%rev3A_142] in [0] : vector<16xi32>, vector<16xi32> -> vector<16xi32>
        %lt3A_144 = arith.cmpf olt, %rev3A_138, %while3A_121 : vector<16xf32>
        %select_n3A = arith.select %lt3A_144, %rev3A_138, %while3A_121 : vector<16xi1>, vector<16xf32>
        %select_n3A_145 = arith.select %lt3A_144, %rev3A_143, %while3A_122 : vector<16xi1>, vector<16xi32>
        %masked_sort3A_146 = arith.constant dense<true> : vector<16xi1>
        %masked_sort3A_147, %masked_sort3A_148, %masked_sort3A_149 = tpu.sort %select_n3A, %select_n3A_145 masked %masked_sort3A_146 : (vector<16xf32>, vector<16xi32>, vector<16xi1>) -> (vector<16xi1>, vector<16xf32>, vector<16xi32>)
        scf.yield %masked_sort3A_148, %masked_sort3A_149 : vector<16xf32>, vector<16xi32>
      }
      %while3A_105 = arith.constant 1 : i32
      %while3A_106:2 = scf.for %while3A_120 = %while3A_102 to %while3A_98 step %while3A_105 iter_args(%while3A_121 = %while3A_104#0, %while3A_122 = %while3A_104#1) -> (vector<16xf32>, vector<16xi32>)  : i32 {
        %mul3A_123 = arith.constant 16 : i32
        %mul3A_124 = arith.muli %while3A_120, %mul3A_123 : i32
        %get3A_125 = arith.index_cast %mul3A_124 : i32 to index
        %get3A_126 = tpu.vector_load %arg5[%get3A_125] {strides = array<i32>} : memref<544xf32, #tpu.memory_space<vmem>>, vector<16xf32>,
        %mul3A_127 = arith.constant 16 : i32
        %mul3A_128 = arith.muli %while3A_120, %mul3A_127 : i32
        %get3A_129 = arith.index_cast %mul3A_128 : i32 to index
        %get3A_130 = tpu.vector_load %arg6[%get3A_129] {strides = array<i32>} : memref<544xi32, #tpu.memory_space<vmem>>, vector<16xi32>,
        %masked_sort3A_131 = arith.constant dense<true> : vector<16xi1>
        %masked_sort3A_132, %masked_sort3A_133, %masked_sort3A_134 = tpu.sort %get3A_126, %get3A_130 masked %masked_sort3A_131 : (vector<16xf32>, vector<16xi32>, vector<16xi1>) -> (vector<16xi1>, vector<16xf32>, vector<16xi32>)
        %rev3A = arith.constant 15 : i32
        %rev3A_135 = vector.broadcast %rev3A : i32 to vector<16xi32>
        %rev3A_136 = tpu.iota {dimensions = array<i32: 0>} : vector<16xi32>
        %rev3A_137 = arith.subi %rev3A_135, %rev3A_136 : vector<16xi32>
        %rev3A_138 = tpu.dynamic_gather %masked_sort3A_133[%rev3A_137] in [0] : vector<16xf32>, vector<16xi32> -> vector<16xf32>
        %rev3A_139 = arith.constant 15 : i32
        %rev3A_140 = vector.broadcast %rev3A_139 : i32 to vector<16xi32>
        %rev3A_141 = tpu.iota {dimensions = array<i32: 0>} : vector<16xi32>
        %rev3A_142 = arith.subi %rev3A_140, %rev3A_141 : vector<16xi32>
        %rev3A_143 = tpu.dynamic_gather %masked_sort3A_134[%rev3A_142] in [0] : vector<16xi32>, vector<16xi32> -> vector<16xi32>
        %lt3A_144 = arith.cmpf olt, %rev3A_138, %while3A_121 : vector<16xf32>
        %select_n3A = arith.select %lt3A_144, %rev3A_138, %while3A_121 : vector<16xi1>, vector<16xf32>
        %select_n3A_145 = arith.select %lt3A_144, %rev3A_143, %while3A_122 : vector<16xi1>, vector<16xi32>
        %masked_sort3A_146 = arith.constant dense<true> : vector<16xi1>
        %masked_sort3A_147, %masked_sort3A_148, %masked_sort3A_149 = tpu.sort %select_n3A, %select_n3A_145 masked %masked_sort3A_146 : (vector<16xf32>, vector<16xi32>, vector<16xi1>) -> (vector<16xi1>, vector<16xf32>, vector<16xi32>)
        scf.yield %masked_sort3A_148, %masked_sort3A_149 : vector<16xf32>, vector<16xi32>
      }
      %rem3A_107 = arith.constant 128 : i32
      %rem3A_108 = arith.remsi %scan3A_16, %rem3A_107 : i32
      %mul3A_109 = arith.constant 16 : i32
      %mul3A_110 = arith.muli %rem3A_108, %mul3A_109 : i32
      %swap3A_111 = arith.index_cast %mul3A_110 : i32 to index
      %swap3A_112 = tpu.vector_load %arg7[%swap3A_111] {strides = array<i32>} : memref<2048xi32, #tpu.memory_space<vmem>>, vector<16xi32>,
      tpu.vector_store %arg7[%swap3A_111], %while3A_106#1 {strides = array<i32>} : memref<2048xi32, #tpu.memory_space<vmem>>, vector<16xi32>,
      %rem3A_113 = arith.constant 128 : i32
      %rem3A_114 = arith.remsi %scan3A_16, %rem3A_113 : i32
      %eq3A = arith.constant 127 : i32
      %eq3A_115 = arith.cmpi eq, %rem3A_114, %eq3A : i32
      %convert_element_type3A_116 = arith.extui %eq3A_115 : i1 to i32
      %cond3A_117 = arith.constant 0 : i32
      %cond3A_118 = arith.cmpi ne, %convert_element_type3A_116, %cond3A_117 : i32
      scf.if %cond3A_118 {
        %sub3A = arith.constant 127 : i32
        %sub3A_120 = arith.subi %add3A_18, %sub3A : i32
        %mul3A_121 = arith.constant 16 : i32
        %mul3A_122 = arith.muli %sub3A_120, %mul3A_121 : i32
        "tpu.region"() ({
          %run_scoped3A = tpu.sem_alloc : memref<!tpu.dma_semaphore, #tpu.memory_space<semaphore_mem>>
          %dma_start3A_123 = tpu.memref_slice %arg3[%mul3A_122] : memref<524288xi32, #tpu.memory_space<hbm>> -> memref<2048xi32, #tpu.memory_space<hbm>>
          %dma_start3A_124 = tpu.memref_slice %arg3[%mul3A_122] : memref<524288xi32, #tpu.memory_space<hbm>> -> memref<2048xi32, #tpu.memory_space<hbm>>
          tpu.enqueue_dma source(%arg7 : memref<2048xi32, #tpu.memory_space<vmem>>) target(%dma_start3A_124 : memref<2048xi32, #tpu.memory_space<hbm>>) target_semaphore(%run_scoped3A : memref<!tpu.dma_semaphore, #tpu.memory_space<semaphore_mem>>)
          %dma_wait3A_125 = tpu.memref_slice %arg3[%mul3A_122] : memref<524288xi32, #tpu.memory_space<hbm>> -> memref<2048xi32, #tpu.memory_space<hbm>>
          %dma_wait3A_126 = tpu.memref_slice %arg3[%mul3A_122] : memref<524288xi32, #tpu.memory_space<hbm>> -> memref<2048xi32, #tpu.memory_space<hbm>>
          tpu.wait_dma2 semaphore(%run_scoped3A : memref<!tpu.dma_semaphore, #tpu.memory_space<semaphore_mem>>) src(%arg7 : memref<2048xi32, #tpu.memory_space<vmem>>) dst(%dma_wait3A_126 : memref<2048xi32, #tpu.memory_space<hbm>>)
          tpu.yield
        }) : () -> ()
      } else {
      }
      %scan3A_119 = arith.constant 0 : i32
      scf.yield %scan3A_119 : i32
    }
    %scan3A_15 = arith.constant 1024 : i32
    return
  }
}

module attributes {stable_mosaic.version = 14 : i64} {
  func.func @_dist_kernel(%arg0: i32, %arg1: i32, %arg2: memref<1x256x256xf32, #tpu.memory_space<vmem>>, %arg3: memref<1x2048x256xf32, #tpu.memory_space<vmem>>, %arg4: memref<1x256x1xf32, #tpu.memory_space<vmem>>, %arg5: memref<1x1x2048xf32, #tpu.memory_space<vmem>>, %arg6: memref<1x256x2048xf32, #tpu.memory_space<vmem>>) attributes {dimension_semantics = [#tpu.dimension_semantics<arbitrary>, #tpu.dimension_semantics<arbitrary>], iteration_bounds = array<i64: 16, 8>, scalar_prefetch = 0 : i64, scratch_operands = 0 : i64, tpu.core_type = #tpu.core_type<tc>, window_params = [{transform_indices = @transform_0, window_bounds = array<i64: 1, 256, 256>}, {transform_indices = @transform_1, window_bounds = array<i64: 1, 2048, 256>}, {transform_indices = @transform_2, window_bounds = array<i64: 1, 256, 1>}, {transform_indices = @transform_3, window_bounds = array<i64: 1, 1, 2048>}, {transform_indices = @transform_4, window_bounds = array<i64: 1, 256, 2048>}]} {
    %get3A = arith.constant 0 : index
    %get3A_0 = arith.constant 0 : index
    %get3A_1 = arith.constant 0 : index
    %get3A_2 = vector.load %arg2[%get3A, %get3A_0, %get3A_1] : memref<1x256x256xf32, #tpu.memory_space<vmem>>, vector<1x256x256xf32>
    %get3A_3 = vector.shape_cast %get3A_2 : vector<1x256x256xf32> to vector<256x256xf32>
    %get3A_4 = arith.constant 0 : index
    %get3A_5 = arith.constant 0 : index
    %get3A_6 = arith.constant 0 : index
    %get3A_7 = vector.load %arg3[%get3A_4, %get3A_5, %get3A_6] : memref<1x2048x256xf32, #tpu.memory_space<vmem>>, vector<1x2048x256xf32>
    %get3A_8 = vector.shape_cast %get3A_7 : vector<1x2048x256xf32> to vector<2048x256xf32>
    %dot_general3A = arith.constant dense<0.000000e+00> : vector<256x2048xf32>
    %dot_general3A_9 = tpu.matmul %get3A_3, %get3A_8, %dot_general3A {dimension_numbers = #tpu.dot_dimension_numbers<[1], [1], [0], [0], [0, 0, 1, 0], [], []>, transpose_lhs_hint = false} : vector<256x256xf32>, vector<2048x256xf32>, vector<256x2048xf32> -> vector<256x2048xf32>
    %get3A_10 = arith.constant 0 : index
    %get3A_11 = arith.constant 0 : index
    %get3A_12 = arith.constant 0 : index
    %get3A_13 = vector.load %arg4[%get3A_10, %get3A_11, %get3A_12] : memref<1x256x1xf32, #tpu.memory_space<vmem>>, vector<1x256x1xf32>
    %get3A_14 = vector.shape_cast %get3A_13 : vector<1x256x1xf32> to vector<256x1xf32>
    %get3A_15 = arith.constant 0 : index
    %get3A_16 = arith.constant 0 : index
    %get3A_17 = arith.constant 0 : index
    %get3A_18 = vector.load %arg5[%get3A_15, %get3A_16, %get3A_17] : memref<1x1x2048xf32, #tpu.memory_space<vmem>>, vector<1x1x2048xf32>
    %get3A_19 = vector.shape_cast %get3A_18 : vector<1x1x2048xf32> to vector<1x2048xf32>
    %add3A = vector.broadcast %get3A_14 : vector<256x1xf32> to vector<256x2048xf32>
    %add3A_20 = vector.broadcast %get3A_19 : vector<1x2048xf32> to vector<256x2048xf32>
    %add3A_21 = arith.addf %add3A, %add3A_20 : vector<256x2048xf32>
    %mul3A = arith.constant 2.000000e+00 : f32
    %mul3A_22 = vector.broadcast %mul3A : f32 to vector<256x2048xf32>
    %mul3A_23 = arith.mulf %mul3A_22, %dot_general3A_9 : vector<256x2048xf32>
    %sub3A = arith.subf %add3A_21, %mul3A_23 : vector<256x2048xf32>
    %swap3A = arith.constant 0 : index
    %swap3A_24 = arith.constant 0 : index
    %swap3A_25 = arith.constant 0 : index
    %swap3A_26 = vector.load %arg6[%swap3A, %swap3A_24, %swap3A_25] : memref<1x256x2048xf32, #tpu.memory_space<vmem>>, vector<1x256x2048xf32>
    %swap3A_27 = vector.shape_cast %swap3A_26 : vector<1x256x2048xf32> to vector<256x2048xf32>
    %swap3A_28 = vector.shape_cast %sub3A : vector<256x2048xf32> to vector<1x256x2048xf32>
    tpu.vector_store %arg6[%swap3A, %swap3A_24, %swap3A_25], %swap3A_28 {strides = array<i32>} : memref<1x256x2048xf32, #tpu.memory_space<vmem>>, vector<1x256x2048xf32>,
    return
  }
  func.func @transform_0(%arg0: i32, %arg1: i32) -> (i32, i32, i32) {
    %c0_i32 = arith.constant 0 : i32
    %c0_i32_0 = arith.constant 0 : i32
    return %arg0, %arg1, %c0_i32 : i32, i32, i32
  }
  func.func @transform_1(%arg0: i32, %arg1: i32) -> (i32, i32, i32) {
    %c0_i32 = arith.constant 0 : i32
    %c0_i32_0 = arith.constant 0 : i32
    %c0_i32_1 = arith.constant 0 : i32
    return %arg0, %c0_i32, %c0_i32_0 : i32, i32, i32
  }
  func.func @transform_2(%arg0: i32, %arg1: i32) -> (i32, i32, i32) {
    %c0_i32 = arith.constant 0 : i32
    %c0_i32_0 = arith.constant 0 : i32
    return %arg0, %arg1, %c0_i32 : i32, i32, i32
  }
  func.func @transform_3(%arg0: i32, %arg1: i32) -> (i32, i32, i32) {
    %c0_i32 = arith.constant 0 : i32
    %c0_i32_0 = arith.constant 0 : i32
    %c0_i32_1 = arith.constant 0 : i32
    return %arg0, %c0_i32, %c0_i32_0 : i32, i32, i32
  }
  func.func @transform_4(%arg0: i32, %arg1: i32) -> (i32, i32, i32) {
    %c0_i32 = arith.constant 0 : i32
    %c0_i32_0 = arith.constant 0 : i32
    return %arg0, %arg1, %c0_i32 : i32, i32, i32
  }
}

</mosaic_0001>

<sc_bundles>
// kernel: kernel.4.cloned.1.call-start
scs
__scs_entry_jumppad:
0x0: {  	(pc) =	sbr.rel $0x88, $3  }
0x1: {  	(tag) =	ssettag $0x0;
	lr =	simm.s32 $0x1  }
0x2: {  	[smem:$0x3FA0] =	sst lr;
	_ =	strace $0xD0000000  }
0x3: {  	_ = 	snop  }
0x4: {  	_ = 	snop  }
0x5: {  	_ = 	snop  }
0x6: {  	_ = 	snop  }
0x7: {  	_ = 	snop  }
__scs_overlays_trampoline_lowered:
0x8: {  	[smem:$0x3FAF] =	sst s0  }
0x9: {  	[smem:$0x3FB0] =	sst s1  }
0xa: {  	[smem:$0x3FB1] =	sst s2  }
0xb: {  	[smem:$0x3FB2] =	sst s3  }
0xc: {  	[smem:$0x3FB3] =	sst s4  }
0xd: {  	[smem:$0x3FB4] =	sst s5  }
0xe: {  	[smem:$0x3FB5] =	sst s6  }
0xf: {  	[smem:$0x3FB6] =	sst s7  }
0x10: {  	[smem:$0x3FB7] =	sst s8  }
0x11: {  	[smem:$0x3FB8] =	sst s9;
	s0 =	simm.s32 @!p0 $0x0  }
0x12: {  	s1 =	sld [smem:$0x3F9E];
	s0 =	simm.s32 @p0 $0x1  }
0x13: {  	[smem:$0x3FB9] =	sst s0;
	s0 =	simm.s32 @!p1 $0x0  }
0x14: {  	s2 =	sld [smem:$0x3F9D];
	s0 =	simm.s32 @p1 $0x1  }
0x15: {  	[smem:$0x3FBA] =	sst s0;
	s0 =	simm.s32 @!p2 $0x0  }
0x16: {  	s3 =	sld [smem:$0x3FDB];
	s0 =	simm.s32 @p2 $0x1  }
0x17: {  	s4 =	simm.s32 $0x1BF5;
	[smem:$0x3FBC] =	sst s0  }
0x18: {  	s0 =	sld [smem:$0x3F9F];
	_ =	swait.ge [sflag:s4], $0x0  }
0x19: {  	s7 =	sld [smem:$0x3FA0]  }
0x1a: {  	s8 =	sadd.s32 $0xFFFFE003, lr  }
0x1b: {  	s9 =	sadd.s32 $0xFFFFFEF7, lr;
	s5 =	simm.s32 $0xFFFFFFFF;
	p2 =	slt.u32 s8, $0xFFFFF086  }
0x1c: {  	p1 =	slt.u32 s9, $0xF7A;
	s5 =	simm.s32 @!p2 $0x0  }
0x1d: {  	s5 =	simm.s32 @p1 $0x1;
	p0 =	seq.s32 s7, s2  }
0x1e: {  	s7 =	smul.u32 @!p0 $0xF7A, s2;
	p2 =	seq.s32 @!p0 s5, $0x0  }
0x1f: {  	s9 =	smul.u32 $0xF7A, s1;
	s8 =	simm.s32 @!p0 $0x1BF5;
	p2 =	por !p2, p0  }
0x20: {  	[sflag:s8] =	ssyncset.s32 @!p0 $0xFFFFF086;
	s6 =	sadd.s32 @!p0 s3, s7;
	s7 =	simm.s32 @!p0 $0x108  }
0x21: {  	s3 =	sadd.s32 s3, s9;
	s6 =	sadd.s32 @!p0 $0x88, s6;
	s7 =	simm.s32 @p2 $0x1082  }
0x22: {  	[simem:s7], [sflag:s8] =	dma.local @!p0 [hbm:s6], $0xF7A  }
0x23: {  	s9 =	sor.u32 $0xD0000000, s2;
	s6 =	simm.s32 $0x108;
	_ =	swait.ge @!p0 [sflag:s8], $0x0  }
0x24: {  	s3 =	sadd.s32 $0x88, s3;
	s6 =	simm.s32 @!p1 $0x1082;
	[sflag:s4] =	ssyncset.s32 $0xFFFFF086  }
0x25: {  	[simem:s6], [sflag:s4] =	dma.local [hbm:s3], $0xF7A  }
0x26: {  	[smem:$0x3FA0] =	sst s1;
	(tag) =	ssettag s2;
	_ =	strace s9  }
0x27: {  	s1 =	sld [smem:$0x3FB0]  }
0x28: {  	s2 =	sld [smem:$0x3FB1]  }
0x29: {  	s4 =	sld [smem:$0x3FB3]  }
0x2a: {  	p0 =	seq.s32 s5, $0x0;
	s5 =	sld [smem:$0x3FB4]  }
0x2b: {  	s6 =	sld [smem:$0x3FB5]  }
0x2c: {  	s7 =	sld [smem:$0x3FB6]  }
0x2d: {  	s3 =	simm.s32 $0x108;
	s8 =	sld [smem:$0x3FB7]  }
0x2e: {  	s3 =	simm.s32 @!p0 $0x1082;
	s9 =	sld [smem:$0x3FB8]  }
0x2f: {  	lr =	sadd.s32 s0, s3;
	s0 =	sld [smem:$0x3FAF]  }
0x30: {  	s3 =	sld [smem:$0x3FB2]  }
0x31: {  	[smem:$0x3FBB] =	sst s10  }
0x32: {  	s10 =	sld [smem:$0x3FB9];
	_ =	sdelay $0x3  }
0x33: {  	p0 =	seq.s32 s10, $0x1;
	s10 =	sld [smem:$0x3FBB];
	_ =	sdelay $0x3  }
0x34: {  	[smem:$0x3FBB] =	sst s10  }
0x35: {  	s10 =	sld [smem:$0x3FBA];
	_ =	sdelay $0x3  }
0x36: {  	p1 =	seq.s32 s10, $0x1;
	s10 =	sld [smem:$0x3FBB];
	_ =	sdelay $0x3  }
0x37: {  	[smem:$0x3FBB] =	sst s10  }
0x38: {  	s10 =	sld [smem:$0x3FBC]  }
0x39: {  	_ = 	snop;
	(pc) =	sbr.ind lr, $3  }
0x3a: {  	_ = 	snop  }
0x3b: {  	_ = 	snop  }
0x3c: {  	p2 =	seq.s32 s10, $0x1;
	s10 =	sld [smem:$0x3FBB]  }
0x3d: {  	_ =	shalt  }
0x3e: {  	_ =	shalt  }
0x3f: {  	_ =	shalt  }
0x40: {  	_ =	shalt  }
0x41: {  	_ =	shalt  }
0x42: {  	_ =	shalt  }
0x43: {  	_ =	shalt  }
0x44: {  	_ =	shalt  }
0x45: {  	_ =	shalt  }
0x46: {  	_ =	shalt  }
0x47: {  	_ =	shalt  }
0x48: {  	_ =	shalt  }
0x49: {  	_ =	shalt  }
0x4a: {  	_ =	shalt  }
0x4b: {  	_ =	shalt  }
0x4c: {  	_ =	shalt  }
0x4d: {  	_ =	shalt  }
0x4e: {  	_ =	shalt  }
0x4f: {  	_ =	shalt  }
0x50: {  	_ =	shalt  }
0x51: {  	_ =	shalt  }
0x52: {  	_ =	shalt  }
0x53: {  	_ =	shalt  }
0x54: {  	_ =	shalt  }
0x55: {  	_ =	shalt  }
0x56: {  	_ =	shalt  }
0x57: {  	_ =	shalt  }
0x58: {  	_ =	shalt  }
0x59: {  	_ =	shalt  }
0x5a: {  	_ =	shalt  }
0x5b: {  	_ =	shalt  }
0x5c: {  	_ =	shalt  }
0x5d: {  	_ =	shalt  }
0x5e: {  	_ =	shalt  }
0x5f: {  	_ =	shalt  }
0x60: {  	_ =	shalt  }
0x61: {  	_ =	shalt  }
0x62: {  	_ =	shalt  }
0x63: {  	_ =	shalt  }
0x64: {  	_ =	shalt  }
0x65: {  	_ =	shalt  }
0x66: {  	_ =	shalt  }
0x67: {  	_ =	shalt  }
0x68: {  	_ =	shalt  }
0x69: {  	_ =	shalt  }
0x6a: {  	_ =	shalt  }
0x6b: {  	_ =	shalt  }
0x6c: {  	_ =	shalt  }
0x6d: {  	_ =	shalt  }
0x6e: {  	_ =	shalt  }
0x6f: {  	_ =	shalt  }
0x70: {  	_ =	shalt  }
0x71: {  	_ =	shalt  }
0x72: {  	_ =	shalt  }
0x73: {  	_ =	shalt  }
0x74: {  	_ =	shalt  }
0x75: {  	_ =	shalt  }
0x76: {  	_ =	shalt  }
0x77: {  	_ =	shalt  }
0x78: {  	_ =	shalt  }
0x79: {  	_ =	shalt  }
0x7a: {  	_ =	shalt  }
0x7b: {  	_ =	shalt  }
0x7c: {  	_ =	shalt  }
0x7d: {  	_ =	shalt  }
0x7e: {  	_ =	shalt  }
0x7f: {  	_ =	shalt  }
0x80: {  	_ =	shalt  }
0x81: {  	_ =	shalt  }
0x82: {  	_ =	shalt  }
0x83: {  	_ =	shalt  }
0x84: {  	_ =	shalt  }
0x85: {  	_ =	shalt  }
0x86: {  	_ =	shalt  }
0x87: {  	_ =	shalt  }
.Lfunc_end0:
.L_simem_size_0:
called_computation.1_lowered:
.L_overlay_start_0:
0x88: {  	s2 =	sld [smem:$0x3FD9]  }
0x89: {  	s3 =	sld [smem:$0x3FFE];
	_ =	sdelay $0x1  }
0x8a: {  	s1 =	srdreg.scid  }
0x8b: {  	s0 =	sand.u32 $0x1, s1  }
0x8c: {  	s14 =	sshll.u32 s0, $0xA;
	s2 =	sadd.s32 s3, s2  }
0x8d: {  	s2 =	sadd.s32 s2, s14  }
0x8e: {  	[smem:$0x3FC7] =	sst s2  }
0x8f: {  	_ = 	snop  }
0x90: {  	s2 =	sld [smem:$0x3FD0];
	_ =	sdelay $0x2  }
0x91: {  	s15 =	simm.s32 $0xA;
	s4 =	simm.s32 $0x10  }
0x92: {  	[smem:s4], [sflag:s15] =	dma.local [hbm:s2], $0x1  }
0x93: {  	_ =	swait.eq [sflag:s15], $0x1  }
0x94: {  	[sflag:s15] =	ssyncset.done $0x0  }
0x95: {  	[sflag:s15] =	ssyncadd.s32 $0xFFFFFFFF  }
0x96: {  	s16 =	sld [smem:$0x12];
	(tm) =	ssettm $0x1  }
0x97: {  	s17 =	sld [smem:$0x3FFB];
	_ =	sdelay $0x3  }
0x98: {  	_ =	strace s17  }
0x99: {  	s3 =	sld [smem:$0x3FFC];
	_ =	sdelay $0x3  }
0x9a: {  	_ =	strace s3  }
0x9b: {  	s3 =	sld [smem:$0x3FFD];
	_ =	sdelay $0x3  }
0x9c: {  	_ =	strace s3  }
0x9d: {  	_ =	strace $0x8FFFFFFF  }
0x9e: {  	s18 =	sld [smem:$0x3FDB];
	_ =	sdelay $0x1  }
0x9f: {  	s19 =	simm.s32 $_scs_section_size  }
0xa0: {  	s5 =	simm.s32 $_size__tile_overlayer_lowered;
	s6 =	simm.s32 $_tile_overlayer_lowered  }
0xa1: {  	s22 =	simm.s32 $0x1BFF;
	s21 =	sshll.u32 s6, $0x1;
	s3 =	sadd.s32 s19, s18  }
0xa2: {  	s7 =	simm.s32 $0x0;
	s20 =	sshll.u32 s5, $0x1;
	s5 =	sadd.s32 s21, s3  }
0xa3: {  	[timem:s7], [sflag:s22] =	dma.local [hbm:s5], s20  }
0xa4: {  	_ =	swait.ge [sflag:s22], s20  }
0xa5: {  	s4 =	ssub.s32 $0x0, s20;
	[sflag:s22] =	ssyncset.done $0x0  }
0xa6: {  	[sflag:s22] =	ssyncadd.s32 s4;
	_ =	sdelay $0x1  }
0xa7: {  	s23 =	simm.s32 $0x1B8B  }
0xa8: {  	_ =	swait.ge [sflag:s23], $0x1  }
0xa9: {  	[sflag:s23] =	ssyncset.done $0x0  }
0xaa: {  	s25 =	simm.s32 $0x1B8E;
	s24 =	sld [smem:$0x3FFE];
	[sflag:s23] =	ssyncadd.s32 $0xFFFFFFFF  }
0xab: {  	s26 =	simm.s32 $execute0_lowered;
	[smem:$0x3FD2] =	sst s25  }
0xac: {  	s5 =	sshll.u32 s26, $0x1;
	_ =	strace $0x80000049;
	[dreg:$0x1] =	wrdreg $0xFFFFFFFF  }
0xad: {  	s28 =	simm.s32 $_size_execute0_lowered;
	s3 =	sadd.s32 s3, s5;
	[dreg:$0x0] =	wrdreg $0x0  }
0xae: {  	s5 =	sshll.u32 s28, $0x1;
	[dreg:$0x2] =	wrdreg s3  }
0xaf: {  	[dreg:$0x3] =	wrdreg s5  }
0xb0: {  	[dreg:$0x4] =	wrdreg $0xC0  }
0xb1: {  	_ =	task [dreg:s7], $0x5FFFF  }
0xb2: {  	[dreg:$0x1] =	wrdreg $0xFFFFFFFF  }
0xb3: {  	[dreg:$0x0] =	wrdreg $0x60  }
0xb4: {  	[dreg:$0x2] =	wrdreg s24  }
0xb5: {  	[dreg:$0x3] =	wrdreg s16  }
0xb6: {  	[dreg:$0x4] =	wrdreg $0x9  }
0xb7: {  	_ =	task.clear_ibuf [dreg:s7], $0x5FFFF;
	_ =	strace $0x90000049  }
0xb8: {  	s29 =	simm.s32 $0x9;
	_ =	strace $0x8000004B  }
0xb9: {  	_ =	swait.ge [sflag:s29], $0x1  }
0xba: {  	[sflag:s29] =	ssyncadd.s32 $0xFFFFFFFF  }
0xbb: {  	_ =	strace $0x9000004B  }
0xbc: {  	_ =	sfence  }
0xbd: {  	s30 =	sld [smem:$0x0];
	_ =	sdelay $0x2  }
0xbe: {  	s31 =	sshll.u32 s1, $0xD;
	s1 =	sshrl.u32 s1, $0x2  }
0xbf: {  	s3 =	sand.u32 $0x4000, s31;
	s1 =	sadd.s32 s1, s30  }
0xc0: {  	s0 =	sor.u32 s3, s0;
	s1 =	sshll.u32 s1, $0x11  }
0xc1: {  	s0 =	sor.u32 s1, s0  }
0xc2: {  	s0 =	sadd.s32 $0x8F2B, s0  }
0xc3: {  	[sflag:s0] =	ssyncadd.remote.s32 $0x1  }
0xc4: {  	_ =	sfence.sel $0xFFFF  }
0xc5: {  	[dreg:$0x0] =	wrdreg $0xFFFFFFFF;
	(pc) =	sbr.abs _section_cstart, $3  }
0xc6: {  	[dreg:$0x1] =	wrdreg $0xFFFFFFFF  }
0xc7: {  	_ =	task.clear_ibuf [dreg:s7], $0x2FFFF;
	_ =	strace $0x9FFFFFFF  }
0xc8: {  	(tm) =	ssettm $0x7FFFFFFF  }
0xc9: {  	_ =	shalt  }
tec
execute0_lowered:
.L_overlay_start_1:
0x0: {  	(tag) =	ssettag $0x1  }
0x1: {  	s6 =	rddreg [dreg:$0x0]  }
0x2: {  	s2 =	rddreg [dreg:$0x1]  }
0x3: {  	s0 =	rddreg [dreg:$0x2]  }
0x4: {  	s4 =	srdreg.scid;
	s1 =	stileid.u32  }
0x5: {  	s3 =	simm.s32 $0x0;
	s4 =	sand.u32 $0x1, s4;
	s5 =	sshll.u32 s1, $0x1  }
.Ltmp0:
0x6: {  	[smem:$0x7FF] =	sst s3;
	s5 =	sor.u32 s4, s5;
	(pc) =	sbr.rel .LBB2_1-.Ltmp0, $4  }
0x7: {  	v0 =	vlaneseq.u32;
	_ =	strace $0x8000004A;
	s8 =	ssub.s32 $0x2, s4;
	s7 =	sshll.u32 s5, $0x12  }
0x8: {  	v1 =	vmul.u32 $0xFFFFFFFF, v0;
	s9 =	sshrl.u32 s8, $0x1;
	s4 =	sshll.u32 s5, $0xA;
	s7 =	sadd.s32 s7, s6  }
0x9: {  	s8 =	ssub.s32 s8, s9;
	s6 =	sadd.s32 $0x800700, s6;
	s9 =	simm.s32 $0x0  }
0xa: {  	v0 =	vimm.f32 $+Inf;
	v1 =	vadd.s32 $0xF, v1;
	s5 =	sadd.s32 $0x800600, s7;
	s7 =	smax.u32 s8, $0x1;
	s8 =	simm.s32 $0x1  }
.LBB2_13:
0xb: {  	s9 =	sadd.s32 $0x1, s9  }
0xc: {  	p0 =	sne.s32 s9, s7  }
.Ltmp1:
0xd: {  	_ = 	snop;
	(pc) =	sbr.rel @!p0 .LBB2_14-.Ltmp1, $1  }
0xe: {  	_ =	sdelay $0x3  }
.LBB2_1:
.Ltmp2:
0xf: {  	(pc) =	sbr.rel .LBB2_2-.Ltmp2, $3  }
0x10: {  	_ =	sdelay $0x1  }
0x11: {  	[tilespmem:s3], [sflag:$0x1] =	stream.linear.gather [hbm4b:s5+s3], $0x800, $0x38;
	[tilespmem:$0x1D00] =	vst v63  }
0x12: {  	p0 =	por $0x0, $0x0;
	s12 =	simm.s32 $0x0  }
.LBB2_8:
0x13: {  	_ = 	snop  }
.LBB2_11:
0x14: {  	v4, v5, _ =	vpop (xrf1)  }
0x15: {  	v4 =	vperm.xlane v4, v1;
	v6, v7, _ =	vpop @p1 (xrf1)  }
0x16: {  	v5 =	vperm.xlane v5, v1;
	v3 =	vpsel p1, v6, v3  }
0x17: {  	v2 =	vpsel p1, v7, v2;
	vm0 =	vlt.f32 v4, v3  }
0x18: {  	v3 =	vsel vm0, v4, v3;
	v2 =	vsel vm0, v5, v2  }
0x19: {  	(xrf1) =	vsort.ascd.msk.f32 $0xffff, v3, v2;
	_ =	sdelay $0xd  }
0x1a: {  	v3, v2, _ =	vpop (xrf1)  }
.LBB2_12:
0x1b: {  	s10 =	sand.u32 $0x7F, s10  }
0x1c: {  	p1 =	sne.s32 s10, $0x7F  }
0x1d: {  	s11 =	sshll.u32 @!p1 s11, $0x4  }
0x1e: {  	s11 =	sadd.s32 @!p1 $0xFFFFF810, s11  }
0x1f: {  	p2 =	sne.s32 s12, $0x400;
	s10 =	sshll.u32 s10, $0x4;
	s11 =	sshrl.u32 @!p1 s11, $0x3  }
0x20: {  	[tilespmem:s10+$0x1500] =	vst v2;
	s13 =	simm.s32 @!p1 $0x1500;
	s10 =	sadd.s32 @!p1 s2, s11;
	s11 =	simm.s32 @!p1 $0x0  }
0x21: {  	[hbm4b:s10+s11] =	stream.linear.scatter @!p1 [tilespmem:s13], [sflag:$0x2], $0x800, $0x38;
	[tilespmem:$0x1D00] =	vst v63  }
.Ltmp3:
0x22: {  	_ = 	snop;
	(pc) =	sbr.rel @!p2 .LBB2_13-.Ltmp3, $4  }
0x23: {  	s10 =	simm.s32 @!p1 $0x2  }
0x24: {  	_ =	swait.ge @!p1 [sflag:s10], $0x800  }
0x25: {  	[sflag:s10] =	ssyncset.done @!p1 $0x0  }
0x26: {  	p0 =	por !p0, !p0;
	[sflag:s10] =	ssyncadd.s32 @!p1 $0xFFFFF800  }
.LBB2_2:
0x27: {  	s11 =	simm.s32 $0x1  }
0x28: {  	s11 =	simm.s32 @!p0 $0x0  }
0x29: {  	s10 =	smov.u32 s12;
	s11 =	sshll.u32 s11, $0xB  }
0x2a: {  	_ =	swait.ge [sflag:s8], $0x800;
	s13 =	sshll.u32 s10, $0xB;
	s31 =	sor.u32 $0x80, s11  }
0x2b: {  	[sflag:s8] =	ssyncset.done $0x0;
	p1 =	seq.s32 s10, $0x3FF;
	s11 =	sadd.s32 s4, s10;
	v2 =	vmov s31  }
0x2c: {  	s13 =	sand.u32 $0x800, s13;
	[sflag:s8] =	ssyncadd.s32 $0xFFFFF800;
	s12 =	sshll.u32 @!p1 s11, $0x8  }
0x2d: {  	s15 =	simm.s32 @!p1 $0x0;
	s14 =	ssub.s32 @!p1 $0x800, s13;
	s12 =	sadd.s32 @!p1 s12, s6  }
0x2e: {  	[tilespmem:s14], [sflag:$0x1] =	stream.linear.gather @!p1 [hbm4b:s12+s15], $0x800, $0x38;
	[tilespmem:$0x1D00] =	vst v63  }
0x2f: {  	s16 =	simm.s32 $0x0;
	v5 =	vld [tilespmem:s13+$0x0]  }
0x30: {  	v8 =	vld.idx.msk [tilespmem:v2+s16+$0x0 ss:$0x1], $0xffff  }
0x31: {  	v9 =	vld.idx.msk [tilespmem:v2+s16+$0x10 ss:$0x1], $0xffff  }
0x32: {  	v7 =	vld.idx.msk [tilespmem:v2+s16+$0x20 ss:$0x1], $0xffff  }
0x33: {  	v6 =	vld.idx.msk [tilespmem:v2+s16+$0x30 ss:$0x1], $0xffff  }
0x34: {  	v4 =	vld.idx.msk [tilespmem:v2+s16+$0x40 ss:$0x1], $0xffff  }
0x35: {  	v3 =	vld.idx.msk [tilespmem:v2+s16+$0x50 ss:$0x1], $0xffff  }
0x36: {  	v8 =	vmin.f32 v5, v8;
	v5 =	vld.idx.msk [tilespmem:v2+s16+$0x60 ss:$0x1], $0xffff  }
0x37: {  	s12 =	sadd.s32 $0x1, s10;
	s14 =	simm.s32 $0x80;
	s15 =	simm.s32 $0x400;
	v9 =	vmin.f32 v8, v9;
	v8 =	vld.idx.msk [tilespmem:v2+s16+$0x70 ss:$0x1], $0xffff  }
.LBB2_3:
0x38: {  	p1 =	sne.s32 s15, $0x1C00;
	v10 =	vld.idx.msk [tilespmem:v2+s14+$0x0 ss:$0x1], $0xffff;
	v7 =	vmin.f32 v9, v7  }
0x39: {  	v9 =	vld.idx.msk [tilespmem:v2+s14+$0x10 ss:$0x1], $0xffff;
	v6 =	vmin.f32 v7, v6  }
0x3a: {  	v7 =	vld.idx.msk [tilespmem:v2+s14+$0x20 ss:$0x1], $0xffff;
	v4 =	vmin.f32 v6, v4  }
.Ltmp4:
0x3b: {  	v6 =	vld.idx.msk [tilespmem:v2+s14+$0x30 ss:$0x1], $0xffff;
	v3 =	vmin.f32 v4, v3;
	(pc) =	sbr.rel @p1 .LBB2_3-.Ltmp4, $4  }
0x3c: {  	v4 =	vld.idx.msk [tilespmem:v2+s14+$0x40 ss:$0x1], $0xffff;
	v5 =	vmin.f32 v3, v5  }
0x3d: {  	v3 =	vld.idx.msk [tilespmem:v2+s14+$0x50 ss:$0x1], $0xffff;
	v5 =	vmin.f32 v5, v8  }
0x3e: {  	v8 =	vmin.f32 v5, v10;
	v5 =	vld.idx.msk [tilespmem:v2+s14+$0x60 ss:$0x1], $0xffff  }
0x3f: {  	v9 =	vmin.f32 v8, v9;
	v8 =	vld.idx.msk [tilespmem:v2+s14+$0x70 ss:$0x1], $0xffff;
	s14 =	sshra.s32 s15, $0x2;
	s15 =	sadd.s32 $0x200, s15  }
0x40: {  	_ =	sdelay $0x2  }
0x41: {  	v7 =	vmin.f32 v9, v7  }
0x42: {  	v57 =	vld.idx.msk [tilespmem:v2+s14+$0x0 ss:$0x1], $0xffff;
	v6 =	vmin.f32 v7, v6  }
0x43: {  	v58 =	vld.idx.msk [tilespmem:v2+s14+$0x10 ss:$0x1], $0xffff;
	v4 =	vmin.f32 v6, v4  }
0x44: {  	v59 =	vld.idx.msk [tilespmem:v2+s14+$0x20 ss:$0x1], $0xffff;
	v3 =	vmin.f32 v4, v3  }
0x45: {  	v4 =	vld.idx.msk [tilespmem:v2+s14+$0x30 ss:$0x1], $0xffff;
	v3 =	vmin.f32 v3, v5  }
0x46: {  	v5 =	vld.idx.msk [tilespmem:v2+s14+$0x40 ss:$0x1], $0xffff;
	v3 =	vmin.f32 v3, v8  }
0x47: {  	v60 =	vld.idx.msk [tilespmem:v2+s14+$0x50 ss:$0x1], $0xffff;
	v3 =	vmin.f32 v3, v57  }
0x48: {  	v61 =	vld.idx.msk [tilespmem:v2+s14+$0x60 ss:$0x1], $0xffff;
	v3 =	vmin.f32 v3, v58  }
0x49: {  	v2 =	vld.idx.msk [tilespmem:v2+s14+$0x70 ss:$0x1], $0xffff;
	v3 =	vmin.f32 v3, v59  }
0x4a: {  	v3 =	vmin.f32 v3, v4;
	v4 =	vld [tilespmem:s13+$0x10]  }
0x4b: {  	v3 =	vmin.f32 v3, v5;
	v5 =	vld [tilespmem:s13+$0x20]  }
0x4c: {  	v62 =	vld [tilespmem:s13+$0x30];
	v3 =	vmin.f32 v3, v60  }
0x4d: {  	v63 =	vld [tilespmem:s13+$0x40];
	v3 =	vmin.f32 v3, v61  }
0x4e: {  	v2 =	vmin.f32 v3, v2;
	v3 =	vld [tilespmem:s13+$0x50]  }
0x4f: {  	v2 =	vmin.f32 v2, v4;
	v4 =	vld [tilespmem:s13+$0x60]  }
0x50: {  	v2 =	vmin.f32 v2, v5;
	v5 =	vld [tilespmem:s13+$0x70]  }
0x51: {  	v2 =	vmin.f32 v2, v62  }
0x52: {  	v2 =	vmin.f32 v2, v63  }
0x53: {  	v2 =	vmin.f32 v2, v3  }
0x54: {  	v2 =	vmin.f32 v2, v4  }
0x55: {  	v2 =	vmin.f32 v2, v5  }
0x56: {  	(xrf1) =	vsort.ascd.msk.f32 $0xffff, v2, v2;
	_ =	sdelay $0x7  }
0x57: {  	s14 =	simm.s32 $0x0  }
0x58: {  	s15 =	sand.u32 $0x780, s14  }
0x59: {  	s16 =	sand.u32 $0x40, s14;
	s15 =	sadd.s32 s15, s13  }
0x5a: {  	s16 =	sadd.s32 s16, s15  }
0x5b: {  	v3 =	vld [tilespmem:s16+$0x0];
	_ =	sdelay $0x1  }
0x5c: {  	v2, _, _ =	vpop (xrf1)  }
0x5d: {  	v2 =	vbroadcast v2, $0xF;
	_ =	sdelay $0x1  }
0x5e: {  	vm0 =	vle.f32 v3, v2  }
0x5f: {  	v4 =	vmpcnt.ones.xlane vm0;
	_ =	sdelay $0x1  }
0x60: {  	(v2sf) =	vpush v4, $0x0;
	_ =	sdelay $0xe  }
0x61: {  	p1 =	por $0x0, $0x0;
	s16 =	spop (v2sf)  }
0x62: {  	p2 =	slt.s32 @!p1 s16, $0x1  }
0x63: {  	p1 =	por p2, p1  }
0x64: {  	s17 =	simm.s32 $0x10;
	vm0 =	vle.f32 @!p1 v3, v2;
	v4 =	vlaneseq.u32 @!p1  }
0x65: {  	s18 =	sand.u32 $0x50, s17;
	v4 =	vor.u32 @!p1 s14, v4;
	[tilespmem:s14+$0x1000] =	vst.msk @!p1 vm0, v3  }
0x66: {  	s28 =	sadd.s32 s18, s15;
	[tilespmem:s14+$0x1280] =	vst.msk @!p1 vm0, v4  }
0x67: {  	v3 =	vld [tilespmem:s28+$0x0];
	_ =	sdelay $0x4  }
0x68: {  	vm0 =	vle.f32 v3, v2  }
0x69: {  	v4 =	vmpcnt.ones.xlane vm0;
	_ =	sdelay $0x1  }
0x6a: {  	(v2sf) =	vpush v4, $0x0;
	_ =	sdelay $0xd  }
0x6b: {  	s14 =	sadd.s32 $0x0, s16  }
0x6c: {  	p1 =	sgt.s32 s14, $0x1FF;
	s16 =	spop (v2sf)  }
0x6d: {  	p2 =	slt.s32 @!p1 s16, $0x1  }
0x6e: {  	p1 =	por p2, p1;
	p2 =	slt.s32 s14, $0x200  }
0x6f: {  	s18 =	simm.s32 $0x20;
	s14 =	simm.s32 @!p2 $0x200;
	vm0 =	vle.f32 @!p1 v3, v2;
	v4 =	vlaneseq.u32 @!p1  }
0x70: {  	s29 =	sand.u32 $0x60, s18;
	v4 =	vor.u32 @!p1 s17, v4;
	[tilespmem:s14+$0x1000] =	vst.msk @!p1 vm0, v3  }
0x71: {  	s17 =	sadd.s32 s29, s15;
	[tilespmem:s14+$0x1280] =	vst.msk @!p1 vm0, v4  }
0x72: {  	v3 =	vld [tilespmem:s17+$0x0];
	_ =	sdelay $0x4  }
0x73: {  	vm0 =	vle.f32 v3, v2  }
0x74: {  	v4 =	vmpcnt.ones.xlane vm0;
	_ =	sdelay $0x1  }
0x75: {  	(v2sf) =	vpush v4, $0x0;
	_ =	sdelay $0xd  }
0x76: {  	s14 =	sadd.s32 s14, s16  }
0x77: {  	p1 =	sgt.s32 s14, $0x1FF;
	s16 =	spop (v2sf)  }
0x78: {  	p2 =	slt.s32 @!p1 s16, $0x1  }
0x79: {  	p1 =	por p2, p1;
	p2 =	slt.s32 s14, $0x200  }
0x7a: {  	s20 =	simm.s32 $0x30;
	s14 =	simm.s32 @!p2 $0x200;
	vm0 =	vle.f32 @!p1 v3, v2;
	v4 =	vlaneseq.u32 @!p1  }
0x7b: {  	s30 =	sand.u32 $0x70, s20;
	v4 =	vor.u32 @!p1 s18, v4;
	[tilespmem:s14+$0x1000] =	vst.msk @!p1 vm0, v3  }
0x7c: {  	s15 =	sadd.s32 s30, s15;
	[tilespmem:s14+$0x1280] =	vst.msk @!p1 vm0, v4  }
0x7d: {  	v4 =	vld [tilespmem:s15+$0x0];
	_ =	sdelay $0x4  }
0x7e: {  	vm0 =	vle.f32 v4, v2  }
0x7f: {  	v3 =	vmpcnt.ones.xlane vm0;
	_ =	sdelay $0x1  }
0x80: {  	(v2sf) =	vpush v3, $0x0;
	_ =	sdelay $0xd  }
0x81: {  	s17 =	sadd.s32 s14, s16  }
0x82: {  	p1 =	slt.s32 s17, $0x200;
	p2 =	sgt.s32 s17, $0x1FF;
	s15 =	spop (v2sf)  }
0x83: {  	s17 =	simm.s32 @!p1 $0x200;
	p1 =	slt.s32 @!p2 s15, $0x1  }
0x84: {  	s14 =	simm.s32 $0x40;
	s18 =	sadd.s32 s17, s15;
	p2 =	por p1, p2  }
0x85: {  	s16 =	simm.s32 $0x80;
	s31 =	sand.u32 $0x780, s14;
	p1 =	slt.s32 s18, $0x200;
	vm0 =	vle.f32 @!p2 v4, v2;
	v3 =	vlaneseq.u32 @!p2  }
0x86: {  	s19 =	sand.u32 $0x40, s14;
	s15 =	sadd.s32 s31, s13;
	s18 =	simm.s32 @!p1 $0x200;
	v3 =	vor.u32 @!p2 s20, v3;
	[tilespmem:s17+$0x1000] =	vst.msk @!p2 vm0, v4  }
.LBB2_5:
0x87: {  	s19 =	sadd.s32 s19, s15;
	[tilespmem:s17+$0x1280] =	vst.msk @!p2 vm0, v3;
	s17 =	smov.u32 s16;
	s16 =	sadd.s32 $0x40, s16  }
0x88: {  	p1 =	sne.s32 s16, $0x800;
	v3 =	vld [tilespmem:s19+$0x0];
	_ =	sdelay $0x4  }
0x89: {  	vm0 =	vle.f32 v3, v2  }
0x8a: {  	v4 =	vmpcnt.ones.xlane vm0;
	_ =	sdelay $0x1  }
0x8b: {  	(v2sf) =	vpush v4, $0x0;
	_ =	sdelay $0xe  }
0x8c: {  	p2 =	sgt.s32 s18, $0x1FF;
	s19 =	spop (v2sf)  }
0x8d: {  	p3 =	slt.s32 @!p2 s19, $0x1;
	s19 =	sadd.s32 s18, s19  }
0x8e: {  	p3 =	por p3, p2;
	p2 =	slt.s32 s19, $0x200  }
0x8f: {  	s20 =	sadd.s32 $0x10, s14;
	vm0 =	vle.f32 @!p3 v3, v2;
	v4 =	vlaneseq.u32 @!p3  }
0x90: {  	s21 =	sand.u32 $0x50, s20;
	v4 =	vor.u32 @!p3 s14, v4;
	[tilespmem:s18+$0x1000] =	vst.msk @!p3 vm0, v3  }
0x91: {  	[tilespmem:s18+$0x1280] =	vst.msk @!p3 vm0, v4;
	s18 =	sadd.s32 s21, s15  }
0x92: {  	v3 =	vld [tilespmem:s18+$0x0];
	_ =	sdelay $0x4  }
0x93: {  	vm0 =	vle.f32 v3, v2  }
0x94: {  	v4 =	vmpcnt.ones.xlane vm0;
	_ =	sdelay $0x1  }
0x95: {  	(v2sf) =	vpush v4, $0x0;
	_ =	sdelay $0xe  }
0x96: {  	p3 =	sgt.s32 s19, $0x1FF;
	s19 =	simm.s32 @!p2 $0x200;
	s18 =	spop (v2sf)  }
0x97: {  	p2 =	slt.s32 @!p3 s18, $0x1;
	s18 =	sadd.s32 s19, s18  }
0x98: {  	p3 =	por p2, p3;
	p2 =	slt.s32 s18, $0x200  }
0x99: {  	s21 =	sadd.s32 $0x20, s14;
	vm0 =	vle.f32 @!p3 v3, v2;
	v4 =	vlaneseq.u32 @!p3  }
0x9a: {  	v4 =	vor.u32 @!p3 s20, v4;
	[tilespmem:s19+$0x1000] =	vst.msk @!p3 vm0, v3;
	s20 =	sand.u32 $0x60, s21  }
0x9b: {  	[tilespmem:s19+$0x1280] =	vst.msk @!p3 vm0, v4;
	s19 =	sadd.s32 s20, s15  }
0x9c: {  	v3 =	vld [tilespmem:s19+$0x0];
	_ =	sdelay $0x4  }
0x9d: {  	vm0 =	vle.f32 v3, v2  }
0x9e: {  	v4 =	vmpcnt.ones.xlane vm0;
	_ =	sdelay $0x1  }
0x9f: {  	(v2sf) =	vpush v4, $0x0;
	_ =	sdelay $0xe  }
0xa0: {  	p3 =	sgt.s32 s18, $0x1FF;
	s18 =	simm.s32 @!p2 $0x200;
	s19 =	spop (v2sf)  }
0xa1: {  	p2 =	slt.s32 @!p3 s19, $0x1;
	s19 =	sadd.s32 s18, s19  }
0xa2: {  	p2 =	por p2, p3  }
0xa3: {  	s20 =	sadd.s32 $0x30, s14;
	s14 =	smov.u32 s17;
	vm0 =	vle.f32 @!p2 v3, v2;
	v4 =	vlaneseq.u32 @!p2  }
0xa4: {  	s17 =	sand.u32 $0x70, s20;
	v4 =	vor.u32 @!p2 s21, v4;
	[tilespmem:s18+$0x1000] =	vst.msk @!p2 vm0, v3  }
0xa5: {  	s15 =	sadd.s32 s17, s15;
	[tilespmem:s18+$0x1280] =	vst.msk @!p2 vm0, v4  }
0xa6: {  	v4 =	vld [tilespmem:s15+$0x0];
	_ =	sdelay $0x4  }
0xa7: {  	vm0 =	vle.f32 v4, v2  }
0xa8: {  	v3 =	vmpcnt.ones.xlane vm0;
	_ =	sdelay $0x1  }
0xa9: {  	(v2sf) =	vpush v3, $0x0;
	_ =	sdelay $0xc  }
0xaa: {  	s17 =	smov.u32 s19;
	p2 =	slt.s32 s19, $0x200  }
0xab: {  	s17 =	simm.s32 @!p2 $0x200  }
.Ltmp5:
0xac: {  	p2 =	sgt.s32 s19, $0x1FF;
	s15 =	spop (v2sf);
	(pc) =	sbr.rel @p1 .LBB2_5-.Ltmp5, $4  }
0xad: {  	p3 =	slt.s32 @!p2 s15, $0x1;
	s18 =	sadd.s32 s17, s15  }
0xae: {  	p2 =	por p3, p2;
	p3 =	slt.s32 s18, $0x200  }
0xaf: {  	s15 =	sand.u32 $0x780, s14;
	vm0 =	vle.f32 @!p2 v4, v2;
	v3 =	vlaneseq.u32 @!p2;
	s18 =	simm.s32 @!p3 $0x200  }
0xb0: {  	s19 =	sand.u32 $0x40, s14;
	s15 =	sadd.s32 s15, s13;
	v3 =	vor.u32 @!p2 s20, v3;
	[tilespmem:s17+$0x1000] =	vst.msk @!p2 vm0, v4  }
0xb1: {  	s13 =	sadd.s32 s19, s15;
	[tilespmem:s17+$0x1280] =	vst.msk @!p2 vm0, v3  }
0xb2: {  	v3 =	vld [tilespmem:s13+$0x0];
	_ =	sdelay $0x4  }
0xb3: {  	vm12 =	vle.f32 v3, v2  }
0xb4: {  	v4 =	vmpcnt.ones.xlane vm12;
	_ =	sdelay $0x1  }
0xb5: {  	(v2sf) =	vpush v4, $0x0;
	_ =	sdelay $0xe  }
0xb6: {  	p1 =	sgt.s32 s18, $0x1FF;
	s13 =	spop (v2sf)  }
0xb7: {  	p2 =	slt.s32 @!p1 s13, $0x1  }
0xb8: {  	p1 =	por p2, p1  }
0xb9: {  	s16 =	sadd.s32 $0x10, s14;
	vm0 =	vle.f32 @!p1 v3, v2;
	v4 =	vlaneseq.u32 @!p1  }
0xba: {  	s28 =	sand.u32 $0x50, s16;
	v4 =	vor.u32 @!p1 s14, v4;
	[tilespmem:s18+$0x1000] =	vst.msk @!p1 vm0, v3  }
0xbb: {  	s17 =	sadd.s32 s28, s15;
	[tilespmem:s18+$0x1280] =	vst.msk @!p1 vm0, v4  }
0xbc: {  	v3 =	vld [tilespmem:s17+$0x0];
	_ =	sdelay $0x4  }
0xbd: {  	vm13 =	vle.f32 v3, v2  }
0xbe: {  	v4 =	vmpcnt.ones.xlane vm13;
	_ =	sdelay $0x1  }
0xbf: {  	(v2sf) =	vpush v4, $0x0;
	_ =	sdelay $0xd  }
0xc0: {  	s13 =	sadd.s32 s18, s13  }
0xc1: {  	p1 =	sgt.s32 s13, $0x1FF;
	s17 =	spop (v2sf)  }
0xc2: {  	p2 =	slt.s32 @!p1 s17, $0x1  }
0xc3: {  	p3 =	slt.s32 s13, $0x200;
	p1 =	por p2, p1  }
0xc4: {  	s13 =	simm.s32 @!p3 $0x200;
	s18 =	sadd.s32 $0x20, s14;
	vm0 =	vle.f32 @!p1 v3, v2;
	v4 =	vlaneseq.u32 @!p1  }
0xc5: {  	s29 =	sand.u32 $0x60, s18;
	v4 =	vor.u32 @!p1 s16, v4;
	[tilespmem:s13+$0x1000] =	vst.msk @!p1 vm0, v3  }
0xc6: {  	s16 =	sadd.s32 s29, s15;
	[tilespmem:s13+$0x1280] =	vst.msk @!p1 vm0, v4  }
0xc7: {  	v3 =	vld [tilespmem:s16+$0x0];
	_ =	sdelay $0x4  }
0xc8: {  	vm14 =	vle.f32 v3, v2  }
0xc9: {  	v4 =	vmpcnt.ones.xlane vm14;
	_ =	sdelay $0x1  }
0xca: {  	(v2sf) =	vpush v4, $0x0;
	_ =	sdelay $0xd  }
0xcb: {  	s13 =	sadd.s32 s13, s17  }
0xcc: {  	p1 =	sgt.s32 s13, $0x1FF;
	s16 =	spop (v2sf)  }
0xcd: {  	p2 =	slt.s32 @!p1 s16, $0x1  }
0xce: {  	p3 =	slt.s32 s13, $0x200;
	p1 =	por p2, p1  }
0xcf: {  	s14 =	sadd.s32 $0x30, s14;
	s13 =	simm.s32 @!p3 $0x200;
	vm0 =	vle.f32 @!p1 v3, v2;
	v4 =	vlaneseq.u32 @!p1  }
0xd0: {  	s30 =	sand.u32 $0x70, s14;
	v4 =	vor.u32 @!p1 s18, v4;
	[tilespmem:s13+$0x1000] =	vst.msk @!p1 vm0, v3  }
0xd1: {  	s31 =	sadd.s32 s30, s15;
	[tilespmem:s13+$0x1280] =	vst.msk @!p1 vm0, v4  }
0xd2: {  	v3 =	vld [tilespmem:s31+$0x0];
	_ =	sdelay $0x4  }
0xd3: {  	vm15 =	vle.f32 v3, v2  }
0xd4: {  	v4 =	vmpcnt.ones.xlane vm15;
	_ =	sdelay $0x1  }
0xd5: {  	(v2sf) =	vpush v4, $0x0;
	_ =	sdelay $0xd  }
0xd6: {  	s15 =	sadd.s32 s13, s16  }
0xd7: {  	p1 =	sgt.s32 s15, $0x1FF;
	s13 =	spop (v2sf)  }
0xd8: {  	p2 =	slt.s32 s15, $0x200;
	p3 =	slt.s32 @!p1 s13, $0x1  }
0xd9: {  	s15 =	simm.s32 @!p2 $0x200;
	p1 =	por p3, p1  }
0xda: {  	s13 =	sadd.s32 s15, s13;
	vm0 =	vle.f32 @!p1 v3, v2;
	v2 =	vlaneseq.u32 @!p1  }
0xdb: {  	p2 =	slt.s32 s13, $0x200;
	v2 =	vor.u32 @!p1 s14, v2;
	[tilespmem:s15+$0x1000] =	vst.msk @!p1 vm0, v3  }
0xdc: {  	p3 =	slt.s32 s13, $0x11;
	s13 =	simm.s32 @!p2 $0x200;
	[tilespmem:s15+$0x1280] =	vst.msk @!p1 vm0, v2  }
0xdd: {  	[tilespmem:s13+$0x1000] =	vst v0  }
0xde: {  	v2 =	vld [tilespmem:$0x1000]  }
0xdf: {  	v3 =	vld [tilespmem:$0x1280];
	_ =	sdelay $0x4  }
0xe0: {  	(xrf1) =	vsort.ascd.msk.f32 $0xffff, v2, v3;
	_ =	sdelay $0x9  }
.Ltmp6:
0xe1: {  	_ = 	snop;
	(pc) =	sbr.rel @p3 .LBB2_12-.Ltmp6, $2  }
0xe2: {  	_ =	sdelay $0x2  }
0xe3: {  	v3, v2, _ =	vpop (xrf1)  }
0xe4: {  	s14 =	simm.s32 $0x1010  }
0xe5: {  	s15 =	simm.s32 $0x1290;
	v4 =	vld [tilespmem:s14+$0x0]  }
0xe6: {  	v5 =	vld [tilespmem:s15+$0x0];
	_ =	sdelay $0x4  }
0xe7: {  	(xrf1) =	vsort.ascd.msk.f32 $0xffff, v4, v5;
	_ =	sdelay $0x2  }
0xe8: {  	s13 =	sadd.s32 $0xF, s13  }
0xe9: {  	s13 =	sshrl.u32 s13, $0x4  }
0xea: {  	s13 =	smax.u32 s13, $0x2  }
0xeb: {  	s13 =	ssub.s32 $0x1, s13  }
0xec: {  	s14 =	sadd.s32 $0x1, s13  }
0xed: {  	p2 =	seq.s32 s14, $0x0  }
.Ltmp7:
0xee: {  	_ = 	snop;
	(pc) =	sbr.rel @p2 .LBB2_8-.Ltmp7, $2  }
0xef: {  	_ =	sdelay $0x2  }
0xf0: {  	p1 =	por $0x0, $0x0;
	s13 =	simm.s32 $0x1020  }
0xf1: {  	v4 =	vld [tilespmem:s13+$0x0];
	s13 =	simm.s32 $0x12A0  }
0xf2: {  	v5 =	vld [tilespmem:s13+$0x0]  }
0xf3: {  	v6, v7, _ =	vpop (xrf1)  }
0xf4: {  	v6 =	vperm.xlane v6, v1  }
0xf5: {  	v7 =	vperm.xlane v7, v1  }
0xf6: {  	vm0 =	vlt.f32 v6, v3  }
0xf7: {  	(xrf1) =	vsort.ascd.msk.f32 $0xffff, v4, v5;
	v4 =	vsel vm0, v6, v3;
	v5 =	vsel vm0, v7, v2  }
0xf8: {  	(xrf1) =	vsort.ascd.msk.f32 $0xffff, v4, v5;
	_ =	sdelay $0x5  }
0xf9: {  	s14 =	sadd.s32 $0x1, s14  }
0xfa: {  	p2 =	seq.s32 s14, $0x0  }
.Ltmp8:
0xfb: {  	_ = 	snop;
	(pc) =	sbr.rel @p2 .LBB2_11-.Ltmp8, $2  }
0xfc: {  	_ =	sdelay $0x2  }
0xfd: {  	s15 =	simm.s32 $0x1030;
	p1 =	por $0x1, $0x1  }
.LBB2_10:
0xfe: {  	v4 =	vld [tilespmem:s15+$0x0];
	s13 =	sadd.s32 $0x10, s13  }
0xff: {  	s14 =	sadd.s32 $0x1, s14;
	v5 =	vld [tilespmem:s13+$0x0]  }
0x100: {  	p2 =	seq.s32 s14, $0x0  }
0x101: {  	v6, v7, _ =	vpop (xrf1)  }
0x102: {  	v6 =	vperm.xlane v6, v1  }
0x103: {  	v7 =	vperm.xlane v7, v1;
	v8, v9, _ =	vpop (xrf1)  }
0x104: {  	(xrf1) =	vsort.ascd.msk.f32 $0xffff, v4, v5;
	vm0 =	vlt.f32 v6, v8  }
0x105: {  	v4 =	vsel vm0, v6, v8;
	v5 =	vsel vm0, v7, v9  }
0x106: {  	(xrf1) =	vsort.ascd.msk.f32 $0xffff, v4, v5;
	_ =	sdelay $0x3  }
.Ltmp9:
0x107: {  	(pc) =	sbr.rel @!p2 .LBB2_10-.Ltmp9, $2  }
0x108: {  	_ =	sdelay $0x2  }
0x109: {  	s15 =	sadd.s32 $0x10, s15  }
.Ltmp10:
0x10a: {  	_ = 	snop;
	(pc) =	sbr.rel .LBB2_11-.Ltmp10, $1  }
0x10b: {  	_ =	sdelay $0x3  }
.LBB2_14:
0x10c: {  	_ =	sfence.sel $0x180000  }
0x10d: {  	[bflag:$0x0] =	sbarrier.arrive $0xFFFF  }
0x10e: {  	p0 =	sne.s32 s1, $0x0;
	_ =	strace $0x9000004A  }
0x10f: {  	s0 =	sadd.s32 @!p0 $0x100000, s0;
	[bflag:$0x2] =	sbarrier.arrive $0xFFFF  }
0x110: {  	[sflag:s0] =	ssyncadd.tile.s32 @!p0 $0x1;
	_ =	shalt  }
.Lfunc_end2:
_tile_overlayer_lowered:
.L_overlay_start_2:
0x111: {  	(tag) =	ssettag $0x2  }
0x112: {  	s0 =	rddreg [dreg:$0x0];
	s2 =	stileid.u32  }
0x113: {  	s1 =	rddreg [dreg:$0x1];
	p0 =	sne.s32 s2, $0x0  }
0x114: {  	s3 =	rddreg [dreg:$0x2];
	[bflag:$0x3] =	sbarrier.arrive $0xFFFF;
	s2 =	simm.s32 @!p0 $0x1C02  }
0x115: {  	[timem:s3], [sflag:s2] =	dma.local @!p0 [hbm:s0], s1  }
0x116: {  	s0 =	simm.s32 @!p0 $0x2  }
0x117: {  	_ =	swait.ge @!p0 [sflag:s0], s1  }
0x118: {  	s1 =	ssub.s32 @!p0 $0x0, s1;
	[sflag:s0] =	ssyncset.done @!p0 $0x0  }
0x119: {  	[sflag:s0] =	ssyncadd.s32 @!p0 s1  }
0x11a: {  	[bflag:$0x3] =	sbarrier.arrive $0xFFFF  }
0x11b: {  	_ =	shalt  }

// kernel: sparse-core-data-format-call.cloned.1.call-start
scs
called_computation_lowered:
.L_overlay_start_0:
0x0: {  	s1 =	sld [smem:$0x3FD9]  }
0x1: {  	s2 =	sld [smem:$0x3FFE];
	_ =	sdelay $0x1  }
0x2: {  	s3 =	srdreg.scid  }
0x3: {  	s0 =	sand.u32 $0x1, s3  }
0x4: {  	s17 =	sshll.u32 s0, $0xA;
	s1 =	sadd.s32 s2, s1  }
0x5: {  	s1 =	sadd.s32 s1, s17  }
0x6: {  	[smem:$0x3FC7] =	sst s1  }
0x7: {  	_ = 	snop  }
0x8: {  	(tm) =	ssettm $0x1  }
0x9: {  	s18 =	sld [smem:$0x3FFB];
	_ =	sdelay $0x3  }
0xa: {  	_ =	strace s18  }
0xb: {  	s1 =	sld [smem:$0x3FFC];
	_ =	sdelay $0x3  }
0xc: {  	_ =	strace s1  }
0xd: {  	s1 =	sld [smem:$0x3FFD];
	_ =	sdelay $0x3  }
0xe: {  	_ =	strace s1  }
0xf: {  	_ =	strace $0x8FFFFFFF  }
0x10: {  	s19 =	sld [smem:$0x3FDB];
	_ =	sdelay $0x1  }
0x11: {  	s20 =	simm.s32 $_scs_section_size  }
0x12: {  	s4 =	simm.s32 $_size__tile_overlayer_lowered;
	s5 =	simm.s32 $_tile_overlayer_lowered  }
0x13: {  	s23 =	simm.s32 $0x1BFF;
	s22 =	sshll.u32 s5, $0x1;
	s1 =	sadd.s32 s20, s19  }
0x14: {  	s6 =	simm.s32 $0x0;
	s21 =	sshll.u32 s4, $0x1;
	s4 =	sadd.s32 s22, s1  }
0x15: {  	[timem:s6], [sflag:s23] =	dma.local [hbm:s4], s21  }
0x16: {  	_ =	swait.ge [sflag:s23], s21  }
0x17: {  	s2 =	ssub.s32 $0x0, s21;
	[sflag:s23] =	ssyncset.done $0x0  }
0x18: {  	[sflag:s23] =	ssyncadd.s32 s2;
	_ =	sdelay $0x1  }
0x19: {  	s24 =	simm.s32 $0x1B8B  }
0x1a: {  	_ =	swait.ge [sflag:s24], $0x1  }
0x1b: {  	[sflag:s24] =	ssyncset.done $0x0  }
0x1c: {  	s26 =	simm.s32 $0x1B8E;
	s25 =	sld [smem:$0x3FFE];
	[sflag:s24] =	ssyncadd.s32 $0xFFFFFFFF  }
0x1d: {  	s27 =	simm.s32 $execute0_lowered;
	[smem:$0x3FD2] =	sst s26  }
0x1e: {  	s4 =	sshll.u32 s27, $0x1;
	_ =	strace $0x80000046;
	[dreg:$0x1] =	wrdreg $0xFFFFFFFF  }
0x1f: {  	s28 =	simm.s32 $_size_execute0_lowered;
	s1 =	sadd.s32 s1, s4;
	[dreg:$0x0] =	wrdreg $0x0  }
0x20: {  	s4 =	sshll.u32 s28, $0x1;
	[dreg:$0x2] =	wrdreg s1  }
0x21: {  	[dreg:$0x3] =	wrdreg s4  }
0x22: {  	[dreg:$0x4] =	wrdreg $0xC0  }
0x23: {  	_ =	task [dreg:s6], $0x5FFFF  }
0x24: {  	[dreg:$0x1] =	wrdreg $0xFFFFFFFF  }
0x25: {  	[dreg:$0x0] =	wrdreg $0x60  }
0x26: {  	[dreg:$0x2] =	wrdreg s25  }
0x27: {  	[dreg:$0x3] =	wrdreg $0x9  }
0x28: {  	_ =	task.clear_ibuf [dreg:s6], $0x4FFFF;
	_ =	strace $0x90000046  }
0x29: {  	s29 =	simm.s32 $0x9;
	_ =	strace $0x80000048  }
0x2a: {  	_ =	swait.ge [sflag:s29], $0x1  }
0x2b: {  	[sflag:s29] =	ssyncadd.s32 $0xFFFFFFFF  }
0x2c: {  	_ =	strace $0x90000048  }
0x2d: {  	_ =	sfence  }
0x2e: {  	s30 =	sld [smem:$0x0];
	_ =	sdelay $0x2  }
0x2f: {  	s31 =	sshll.u32 s3, $0xD;
	s3 =	sshrl.u32 s3, $0x2  }
0x30: {  	s2 =	sand.u32 $0x4000, s31;
	s1 =	sadd.s32 s3, s30  }
0x31: {  	s0 =	sor.u32 s2, s0;
	s1 =	sshll.u32 s1, $0x11  }
0x32: {  	s0 =	sor.u32 s1, s0  }
0x33: {  	s0 =	sadd.s32 $0x8F2B, s0  }
0x34: {  	[sflag:s0] =	ssyncadd.remote.s32 $0x1  }
0x35: {  	_ =	sfence.sel $0xFFFF  }
0x36: {  	[dreg:$0x0] =	wrdreg $0xFFFFFFFF;
	(pc) =	sbr.abs _section_cstart, $3  }
0x37: {  	[dreg:$0x1] =	wrdreg $0xFFFFFFFF  }
0x38: {  	_ =	task.clear_ibuf [dreg:s6], $0x2FFFF;
	_ =	strace $0x9FFFFFFF  }
0x39: {  	(tm) =	ssettm $0x7FFFFFFF  }
tec
execute0_lowered:
.L_overlay_start_1:
0x0: {  	(tag) =	ssettag $0x1  }
0x1: {  	s1 =	rddreg [dreg:$0x0]  }
0x2: {  	s0 =	rddreg [dreg:$0x1]  }
0x3: {  	_ =	strace $0x80000047;
	s4 =	srdreg.scid;
	s6 =	simm.s32 $0x2  }
.Ltmp0:
0x4: {  	p0 =	por $0x0, $0x0;
	s9 =	simm.s32 $0x0;
	(pc) =	sbr.rel .LBB1_1-.Ltmp0, $4  }
0x5: {  	s2 =	sadd.s32 $0x600, s1;
	s3 =	sadd.s32 $0x800600, s1;
	s5 =	sshll.u32 s4, $0x4  }
0x6: {  	s1 =	stileid.u32;
	s4 =	simm.s32 $0x1;
	s5 =	sand.u32 $0x10, s5  }
0x7: {  	s7 =	simm.s32 $0x0;
	[sflag:s4] =	ssyncpa.u1 $0x0;
	s5 =	sor.u32 s1, s5  }
0x8: {  	[sflag:s6] =	ssyncpa.u1 $0x0;
	s6 =	simm.s32 $0x0;
	s8 =	smov.u32 s5  }
.LBB1_7:
0x9: {  	s11 =	sadd.s32 $0x20, s8  }
0xa: {  	p1 =	slt.u32 s7, $0x2;
	s7 =	sadd.s32 $0x1, s7;
	p2 =	sgt.s32 s11, $0xFFF  }
0xb: {  	s11 =	smov.u32 @p2 s5;
	p2 =	sne.s32 s7, $0x82  }
.Ltmp1:
0xc: {  	_ = 	snop;
	(pc) =	sbr.rel @!p2 .LBB1_8-.Ltmp1, $4  }
0xd: {  	s10 =	simm.s32 @!p1 $0x2  }
0xe: {  	_ =	swait.ge @!p1 [sflag:s10], $0x4000  }
0xf: {  	s9 =	smov.u32 s8;
	[sflag:s10] =	ssyncset.done @!p1 $0x0  }
0x10: {  	p0 =	por !p0, !p0;
	s8 =	smov.u32 s11;
	[sflag:s10] =	ssyncadd.s32 @!p1 $0xFFFFC000  }
.LBB1_1:
0x11: {  	p1 =	sgt.u32 s7, $0x7F  }
0x12: {  	s10 =	sxor.u32 @!p1 $0xFFFFFFFF, s7  }
0x13: {  	s11 =	sshll.u32 @!p1 s8, $0xB;
	s10 =	sshll.u32 @!p1 s10, $0xE  }
0x14: {  	s12 =	simm.s32 @!p1 $0x0;
	s11 =	sadd.s32 @!p1 s2, s11;
	s10 =	sand.u32 @!p1 $0x4000, s10  }
0x15: {  	[tilespmem:s10], [sflag:$0x1] =	stream.linear.gather @!p1 [hbm4b:s11+s12], $0x4000, $0x38;
	[tilespmem:$0x10000] =	vst v63  }
0x16: {  	p1 =	seq.s32 s7, $0x0  }
0x17: {  	p2 =	seq.s32 @!p1 s7, $0x81  }
0x18: {  	p1 =	por p1, p2  }
.Ltmp2:
0x19: {  	_ = 	snop;
	(pc) =	sbr.rel @p1 .LBB1_7-.Ltmp2, $1  }
0x1a: {  	_ =	sdelay $0x3  }
0x1b: {  	s10 =	simm.s32 $0x1;
	_ =	swait.ge [sflag:s4], $0x4000;
	s12 =	sshll.u32 s7, $0xE  }
0x1c: {  	s13 =	simm.s32 $0x0;
	s10 =	simm.s32 @!p0 $0x0;
	[sflag:s4] =	ssyncset.done $0x0  }
0x1d: {  	s12 =	sand.u32 $0x4000, s12;
	s11 =	sshll.u32 s10, $0xE;
	[sflag:s4] =	ssyncadd.s32 $0xFFFFC000  }
0x1e: {  	s12 =	sor.u32 $0x8000, s12;
	s10 =	sor.u32 $0x8040, s11;
	s11 =	sor.u32 $0x40, s11  }
.LBB1_3:
0x1f: {  	v0 =	vmov s11;
	_ =	sdelay $0x3  }
0x20: {  	s15 =	simm.s32 $0x0  }
0x21: {  	v6 =	vld.idx.msk [tilespmem:v0+s15+$0x30 ss:$0x1], $0xffff  }
0x22: {  	v7 =	vld.idx.msk [tilespmem:v0+s15+$0xFFFFFFC0 ss:$0x1], $0xffff  }
0x23: {  	v5 =	vld.idx.msk [tilespmem:v0+s15+$0xFFFFFFD0 ss:$0x1], $0xffff  }
0x24: {  	v4 =	vld.idx.msk [tilespmem:v0+s15+$0xFFFFFFE0 ss:$0x1], $0xffff  }
0x25: {  	v3 =	vld.idx.msk [tilespmem:v0+s15+$0xFFFFFFF0 ss:$0x1], $0xffff  }
0x26: {  	v1 =	vld.idx.msk [tilespmem:v0+s15+$0x0 ss:$0x1], $0xffff  }
0x27: {  	v2 =	vld.idx.msk [tilespmem:v0+s15+$0x10 ss:$0x1], $0xffff;
	[tilespmem:s10+$0x30] =	vst v6  }
0x28: {  	s14 =	simm.s32 $0x80;
	s16 =	simm.s32 $0x400;
	[tilespmem:s10+$0xFFFFFFC0] =	vst v7;
	v6 =	vld.idx.msk [tilespmem:v0+s15+$0x20 ss:$0x1], $0xffff;
	s15 =	smov.u32 s10  }
.LBB1_4:
0x29: {  	p1 =	sne.s32 s16, $0xE00;
	v7 =	vld.idx.msk [tilespmem:v0+s14+$0x30 ss:$0x1], $0xffff;
	[tilespmem:s15+$0xFFFFFFD0] =	vst v5  }
0x2a: {  	v8 =	vld.idx.msk [tilespmem:v0+s14+$0xFFFFFFC0 ss:$0x1], $0xffff;
	[tilespmem:s15+$0xFFFFFFE0] =	vst v4  }
0x2b: {  	v5 =	vld.idx.msk [tilespmem:v0+s14+$0xFFFFFFD0 ss:$0x1], $0xffff;
	[tilespmem:s15+$0xFFFFFFF0] =	vst v3  }
.Ltmp3:
0x2c: {  	v4 =	vld.idx.msk [tilespmem:v0+s14+$0xFFFFFFE0 ss:$0x1], $0xffff;
	[tilespmem:s15+$0x0] =	vst v1;
	(pc) =	sbr.rel @p1 .LBB1_4-.Ltmp3, $4  }
0x2d: {  	v3 =	vld.idx.msk [tilespmem:v0+s14+$0xFFFFFFF0 ss:$0x1], $0xffff;
	[tilespmem:s15+$0x10] =	vst v2  }
0x2e: {  	v1 =	vld.idx.msk [tilespmem:v0+s14+$0x0 ss:$0x1], $0xffff;
	[tilespmem:s15+$0x20] =	vst v6;
	s15 =	sadd.s32 $0x800, s15  }
0x2f: {  	v2 =	vld.idx.msk [tilespmem:v0+s14+$0x10 ss:$0x1], $0xffff;
	[tilespmem:s15+$0x30] =	vst v7  }
0x30: {  	[tilespmem:s15+$0xFFFFFFC0] =	vst v8;
	v6 =	vld.idx.msk [tilespmem:v0+s14+$0x20 ss:$0x1], $0xffff;
	s14 =	sshra.s32 s16, $0x2;
	s16 =	sadd.s32 $0x200, s16  }
0x31: {  	_ =	sdelay $0x2  }
0x32: {  	[tilespmem:s15+$0xFFFFFFD0] =	vst v5  }
0x33: {  	v56 =	vld.idx.msk [tilespmem:v0+s14+$0x30 ss:$0x1], $0xffff;
	[tilespmem:s15+$0xFFFFFFE0] =	vst v4  }
0x34: {  	v57 =	vld.idx.msk [tilespmem:v0+s14+$0xFFFFFFC0 ss:$0x1], $0xffff;
	[tilespmem:s15+$0xFFFFFFF0] =	vst v3  }
0x35: {  	v58 =	vld.idx.msk [tilespmem:v0+s14+$0xFFFFFFD0 ss:$0x1], $0xffff;
	[tilespmem:s15+$0x0] =	vst v1  }
0x36: {  	v59 =	vld.idx.msk [tilespmem:v0+s14+$0xFFFFFFE0 ss:$0x1], $0xffff;
	[tilespmem:s15+$0x10] =	vst v2  }
0x37: {  	v60 =	vld.idx.msk [tilespmem:v0+s14+$0xFFFFFFF0 ss:$0x1], $0xffff;
	s31 =	sadd.s32 $0x800, s15;
	[tilespmem:s15+$0x20] =	vst v6  }
0x38: {  	v61 =	vld.idx.msk [tilespmem:v0+s14+$0x0 ss:$0x1], $0xffff;
	[tilespmem:s31+$0x30] =	vst v56  }
0x39: {  	v62 =	vld.idx.msk [tilespmem:v0+s14+$0x10 ss:$0x1], $0xffff;
	s13 =	sadd.s32 $0x1, s13;
	[tilespmem:s31+$0xFFFFFFC0] =	vst v57  }
0x3a: {  	v63 =	vld.idx.msk [tilespmem:v0+s14+$0x20 ss:$0x1], $0xffff;
	p1 =	sne.s32 s13, $0x10;
	[tilespmem:s31+$0xFFFFFFD0] =	vst v58  }
.Ltmp4:
0x3b: {  	[tilespmem:s31+$0xFFFFFFE0] =	vst v59;
	(pc) =	sbr.rel @p1 .LBB1_3-.Ltmp4, $4  }
0x3c: {  	[tilespmem:s31+$0xFFFFFFF0] =	vst v60  }
0x3d: {  	[tilespmem:s31+$0x0] =	vst v61  }
0x3e: {  	[tilespmem:s31+$0x10] =	vst v62  }
0x3f: {  	s10 =	sadd.s32 $0x80, s10;
	s11 =	sadd.s32 $0x400, s11;
	[tilespmem:s31+$0x20] =	vst v63  }
.Ltmp5:
0x40: {  	(pc) =	sbr.rel .LBB1_7-.Ltmp5, $4  }
0x41: {  	_ = 	snop  }
0x42: {  	s9 =	sshll.u32 s9, $0xB  }
0x43: {  	s9 =	sadd.s32 s3, s9  }
0x44: {  	[hbm4b:s9+s6] =	stream.linear.scatter [tilespmem:s12], [sflag:$0x2], $0x4000, $0x38;
	[tilespmem:$0x10000] =	vst v63  }
.LBB1_8:
0x45: {  	_ =	sfence.sel $0x180000  }
0x46: {  	s2 =	simm.s32 $0x1;
	[bflag:$0x0] =	sbarrier.arrive $0xFFFF  }
0x47: {  	s31 =	simm.s32 $0x2;
	[sflag:s2] =	ssyncpa.u1 $0x1  }
0x48: {  	[sflag:s31] =	ssyncpa.u1 $0x1  }
0x49: {  	p0 =	sne.s32 s1, $0x0;
	_ =	strace $0x90000047  }
0x4a: {  	s0 =	sadd.s32 @!p0 $0x100000, s0;
	[bflag:$0x2] =	sbarrier.arrive $0xFFFF  }
0x4b: {  	[sflag:s0] =	ssyncadd.tile.s32 @!p0 $0x1;
	_ =	shalt  }
.Lfunc_end1:
_tile_overlayer_lowered:
.L_overlay_start_2:
0x4c: {  	(tag) =	ssettag $0x2  }
0x4d: {  	s0 =	rddreg [dreg:$0x0];
	s2 =	stileid.u32  }
0x4e: {  	s1 =	rddreg [dreg:$0x1];
	p0 =	sne.s32 s2, $0x0  }
0x4f: {  	s3 =	rddreg [dreg:$0x2];
	[bflag:$0x3] =	sbarrier.arrive $0xFFFF;
	s2 =	simm.s32 @!p0 $0x1C01  }
0x50: {  	[timem:s3], [sflag:s2] =	dma.local @!p0 [hbm:s0], s1  }
0x51: {  	s0 =	simm.s32 @!p0 $0x1  }
0x52: {  	_ =	swait.ge @!p0 [sflag:s0], s1  }
0x53: {  	s1 =	ssub.s32 @!p0 $0x0, s1;
	[sflag:s0] =	ssyncset.done @!p0 $0x0  }
0x54: {  	[sflag:s0] =	ssyncadd.s32 @!p0 s1  }
0x55: {  	[bflag:$0x3] =	sbarrier.arrive $0xFFFF  }
0x56: {  	_ =	shalt  }

</sc_bundles>
